<compile_context>
chip_gen: v7x
topology: tpu7x:2x2x1
jax: 0.10.2.dev20260603
libtpu: 0.0.44.dev20260713+nightly
codegen_flags: <defaults>
</compile_context>

<pallas_src>
import functools

import jax
import jax.numpy as jnp
from jax import lax
from jax.experimental import pallas as pl
from jax.experimental.pallas import tpu as pltpu
from jax.experimental.pallas import tpu_sc as plsc

BATCH = 4096
SEQ = 200
EMBED_DIM = 64
NUM_CORES = 2
NUM_SUBCORES = 16
NUM_WORKERS = NUM_CORES * NUM_SUBCORES
BTILE = BATCH // NUM_WORKERS
LANES = 16
DHI = EMBED_DIM // 8
BHI = BATCH // 128


def _gather_desc(table_hbm, idx_v, buf, sem, s):
    return pltpu.make_async_copy(table_hbm.at[idx_v.at[s]], buf, sem)


def _wb_descs(obuf, out_hbm, sem, s, bt):
    return [
        pltpu.make_async_copy(obuf.at[pl.ds(8 * g, 8)], out_hbm.at[s, g, bt],
                              sem)
        for g in range(DHI)
    ]


def _transpose_add(obuf, gbuf, pos_v, s):
    @plsc.parallel_loop(0, EMBED_DIM, 1, unroll=4)
    def _diag(c):
        dcol = (lax.iota(jnp.int32, LANES) + c) & (EMBED_DIM - 1)
        p = plsc.load_gather(pos_v, [jnp.full((LANES,), s, jnp.int32), dcol])
        for j in range(BTILE // LANES):
            rows = lax.iota(jnp.int32, LANES) + j * LANES
            v = plsc.load_gather(gbuf, [rows, dcol])
            plsc.store_scatter(obuf, [dcol, rows], v + p)


def _tpe_kernel(idxT_hbm, table_hbm, pos_hbm, out_hbm,
                idx_v, pos_v, g_a, g_b, o_a, o_b, gs_a, gs_b, ws_a, ws_b):
    gbufs = [g_a, g_b]
    obufs = [o_a, o_b]
    gsems = [gs_a, gs_b]
    wsems = [ws_a, ws_b]
    wid = lax.axis_index("s") * NUM_CORES + lax.axis_index("c")
    b0 = wid * BTILE

    pltpu.sync_copy(pos_hbm, pos_v)
    pltpu.sync_copy(idxT_hbm.at[:, pl.ds(b0, BTILE)], idx_v)

    for b in range(2):
        _gather_desc(table_hbm, idx_v, gbufs[b], gsems[b], b).start()

    def group(p, carry):
        for b in range(2):
            s = 2 * p + b
            _gather_desc(table_hbm, idx_v, gbufs[b], gsems[b], s).wait()

            @pl.when(s >= 2)
            def _():
                for d in _wb_descs(obufs[b], out_hbm, wsems[b], s - 2, wid):
                    d.wait()

            _transpose_add(obufs[b], gbufs[b], pos_v, s)

            @pl.when(s + 2 < SEQ)
            def _():
                _gather_desc(table_hbm, idx_v, gbufs[b], gsems[b],
                             s + 2).start()

            for d in _wb_descs(obufs[b], out_hbm, wsems[b], s, wid):
                d.start()
        return carry

    lax.fori_loop(0, SEQ // 2, group, 0)

    for b in range(2):
        for d in _wb_descs(obufs[b], out_hbm, wsems[b], SEQ - 2 + b, wid):
            d.wait()


def kernel(inputs, token_table, position_table):
    mesh = plsc.VectorSubcoreMesh(core_axis_name="c", subcore_axis_name="s")
    run = functools.partial(
        pl.kernel,
        out_type=jax.ShapeDtypeStruct((SEQ, DHI, BHI, 8, 128), jnp.float32),
        mesh=mesh,
        scratch_types=(
            [pltpu.VMEM((SEQ, BTILE), jnp.int32),
             pltpu.VMEM((SEQ, EMBED_DIM), jnp.float32)]
            + [pltpu.VMEM((BTILE, EMBED_DIM), jnp.float32) for _ in range(2)]
            + [pltpu.VMEM((EMBED_DIM, 128), jnp.float32) for _ in range(2)]
            + [pltpu.SemaphoreType.DMA for _ in range(4)]
        ),
        compiler_params=pltpu.CompilerParams(
            use_tc_tiling_on_sc=False, needs_layout_passes=False),
    )(_tpe_kernel)
    out5 = run(inputs.T.astype(jnp.int32), token_table, position_table)
    return out5.transpose(2, 4, 0, 1, 3).reshape(BATCH, SEQ, EMBED_DIM)

# --- scband reference (transcript-rebuilt; emitter-appended) ---
"""Pipeline reference for scband-token-and-position-embedding-30562987278341 (READ-ONLY COPY).

The authoritative reference and input builder live on the scoring server;
editing this copy changes nothing except your own understanding.
"""

import jax, jax.numpy as jnp
import numpy as np

VOCAB = 1000000
MAX_LEN = 200
EMBED_DIM = 64
BATCH = 4096
SEQ = 200

def setup_inputs(seed: int = 0) -> dict:
    key = jax.random.key(seed)
    k1, k2, k3 = jax.random.split(key, 3)
    inputs = jax.random.randint(k1, (BATCH, SEQ), 0, VOCAB, dtype=jnp.int64 if jax.config.jax_enable_x64 else jnp.int32)
    # glorot_uniform-ish init for both tables
    limit_tok = np.sqrt(6.0 / (VOCAB + EMBED_DIM))
    token_table = jax.random.uniform(k2, (VOCAB, EMBED_DIM), minval=-limit_tok, maxval=limit_tok, dtype=jnp.float32)
    limit_pos = np.sqrt(6.0 / (MAX_LEN + EMBED_DIM))
    position_table = jax.random.uniform(k3, (MAX_LEN, EMBED_DIM), minval=-limit_pos, maxval=limit_pos, dtype=jnp.float32)
    return {"inputs": inputs, "token_table": token_table, "position_table": position_table}

def reference(inputs, token_table, position_table):
    # token embedding: gather rows from the vocab table
    embedded_tokens = jnp.take(token_table, inputs, axis=0)  # [B, S, D]
    seq_len = embedded_tokens.shape[-2]
    # position embedding: slice first seq_len positions, broadcast over batch
    embedded_positions = jax.lax.dynamic_slice_in_dim(position_table, 0, seq_len, axis=0)  # [S, D]
    embedded_positions = jnp.broadcast_to(embedded_positions, embedded_tokens.shape)
    outputs = embedded_tokens + embedded_positions
    return outputs

if __name__ == "__main__":
    import jax
    _d = setup_inputs()
    print(jax.jit(kernel)(*tuple(_d.values())))

</pallas_src>

<mosaic_0001>
#map = affine_map<(d0, d1) -> (0, 0)>
#map1 = affine_map<(d0, d1) -> (0, 0, 0, 0, 0)>
module attributes {stable_mosaic.version = 14 : i64} {
  func.func @_tpe_kernel(%arg0: i32, %arg1: i32, %arg2: memref<200x4096xi32, #tpu.memory_space<hbm>>, %arg3: memref<1000000x64xf32, #tpu.memory_space<hbm>>, %arg4: memref<200x64xf32, #tpu.memory_space<hbm>>, %arg5: memref<200x8x32x8x128xf32, #tpu.memory_space<hbm>>, %arg6: memref<200x128xi32, #tpu.memory_space<vmem>>, %arg7: memref<200x64xf32, #tpu.memory_space<vmem>>, %arg8: memref<128x64xf32, #tpu.memory_space<vmem>>, %arg9: memref<128x64xf32, #tpu.memory_space<vmem>>, %arg10: memref<64x128xf32, #tpu.memory_space<vmem>>, %arg11: memref<64x128xf32, #tpu.memory_space<vmem>>, %arg12: memref<!tpu.dma_semaphore, #tpu.memory_space<semaphore_mem>>, %arg13: memref<!tpu.dma_semaphore, #tpu.memory_space<semaphore_mem>>, %arg14: memref<!tpu.dma_semaphore, #tpu.memory_space<semaphore_mem>>, %arg15: memref<!tpu.dma_semaphore, #tpu.memory_space<semaphore_mem>>) attributes {dimension_semantics = [#tpu.dimension_semantics<core_parallel>, #tpu.dimension_semantics<subcore_parallel>], iteration_bounds = array<i64: 2, 16>, scalar_prefetch = 0 : i64, scratch_operands = 10 : i64, tpu.core_type = #tpu.core_type<sc_vector_subcore>, window_params = [{transform_indices = #map}, {transform_indices = #map}, {transform_indices = #map}, {transform_indices = #map1}]} {
    %mul3A = arith.constant 2 : i32
    %mul3A_0 = arith.muli %arg1, %mul3A : i32
    %add3A = arith.addi %mul3A_0, %arg0 : i32
    %mul3A_1 = arith.constant 128 : i32
    %mul3A_2 = arith.muli %add3A, %mul3A_1 : i32
    "tpu.region"() ({
      %run_scoped3A = tpu.sem_alloc : memref<!tpu.dma_semaphore, #tpu.memory_space<semaphore_mem>>
      tpu.enqueue_dma source(%arg4 : memref<200x64xf32, #tpu.memory_space<hbm>>) target(%arg7 : memref<200x64xf32, #tpu.memory_space<vmem>>) target_semaphore(%run_scoped3A : memref<!tpu.dma_semaphore, #tpu.memory_space<semaphore_mem>>)
      tpu.wait_dma2 semaphore(%run_scoped3A : memref<!tpu.dma_semaphore, #tpu.memory_space<semaphore_mem>>) src(%arg4 : memref<200x64xf32, #tpu.memory_space<hbm>>) dst(%arg7 : memref<200x64xf32, #tpu.memory_space<vmem>>)
      tpu.yield
    }) : () -> ()
    "tpu.region"() ({
      %run_scoped3A = tpu.sem_alloc : memref<!tpu.dma_semaphore, #tpu.memory_space<semaphore_mem>>
      %dma_start3A_276 = arith.constant 0 : i32
      %dma_start3A_277 = tpu.memref_slice %arg2[%dma_start3A_276, %mul3A_2] : memref<200x4096xi32, #tpu.memory_space<hbm>> -> memref<200x128xi32, #tpu.memory_space<hbm>>
      %dma_start3A_278 = arith.constant 0 : i32
      %dma_start3A_279 = tpu.memref_slice %arg2[%dma_start3A_278, %mul3A_2] : memref<200x4096xi32, #tpu.memory_space<hbm>> -> memref<200x128xi32, #tpu.memory_space<hbm>>
      tpu.enqueue_dma source(%dma_start3A_279 : memref<200x128xi32, #tpu.memory_space<hbm>>) target(%arg6 : memref<200x128xi32, #tpu.memory_space<vmem>>) target_semaphore(%run_scoped3A : memref<!tpu.dma_semaphore, #tpu.memory_space<semaphore_mem>>)
      %dma_wait3A_280 = arith.constant 0 : i32
      %dma_wait3A_281 = tpu.memref_slice %arg2[%dma_wait3A_280, %mul3A_2] : memref<200x4096xi32, #tpu.memory_space<hbm>> -> memref<200x128xi32, #tpu.memory_space<hbm>>
      %dma_wait3A_282 = arith.constant 0 : i32
      %dma_wait3A_283 = tpu.memref_slice %arg2[%dma_wait3A_282, %mul3A_2] : memref<200x4096xi32, #tpu.memory_space<hbm>> -> memref<200x128xi32, #tpu.memory_space<hbm>>
      tpu.wait_dma2 semaphore(%run_scoped3A : memref<!tpu.dma_semaphore, #tpu.memory_space<semaphore_mem>>) src(%dma_wait3A_283 : memref<200x128xi32, #tpu.memory_space<hbm>>) dst(%arg6 : memref<200x128xi32, #tpu.memory_space<vmem>>)
      tpu.yield
    }) : () -> ()
    %dma_start3A = arith.constant 0 : i32
    %dma_start3A_3 = arith.constant 0 : i32
    %dma_start3A_4 = tpu.memref_slice %arg6[%dma_start3A, %dma_start3A_3] : memref<200x128xi32, #tpu.memory_space<vmem>> -> memref<1x128xi32, #tpu.memory_space<vmem>>
    %dma_start3A_5 = tpu.memref_squeeze %dma_start3A_4 : memref<1x128xi32, #tpu.memory_space<vmem>> -> memref<128xi32, #tpu.memory_space<vmem>>
    %dma_start3A_6 = arith.constant 0 : i32
    %dma_start3A_7 = arith.constant 0 : i32
    %dma_start3A_8 = tpu.memref_slice %arg3[%dma_start3A_6, %dma_start3A_7] : memref<1000000x64xf32, #tpu.memory_space<hbm>> -> memref<1000000x64xf32, #tpu.memory_space<hbm>>
    tpu.enqueue_indirect_dma source(%dma_start3A_8 : memref<1000000x64xf32, #tpu.memory_space<hbm>>) target(%arg8 : memref<128x64xf32, #tpu.memory_space<vmem>>) offsets(%dma_start3A_5 : memref<128xi32, #tpu.memory_space<vmem>>) semaphore(%arg12 : memref<!tpu.dma_semaphore, #tpu.memory_space<semaphore_mem>>)
    %dma_start3A_9 = arith.constant 1 : i32
    %dma_start3A_10 = arith.constant 0 : i32
    %dma_start3A_11 = tpu.memref_slice %arg6[%dma_start3A_9, %dma_start3A_10] : memref<200x128xi32, #tpu.memory_space<vmem>> -> memref<1x128xi32, #tpu.memory_space<vmem>>
    %dma_start3A_12 = tpu.memref_squeeze %dma_start3A_11 : memref<1x128xi32, #tpu.memory_space<vmem>> -> memref<128xi32, #tpu.memory_space<vmem>>
    %dma_start3A_13 = arith.constant 0 : i32
    %dma_start3A_14 = arith.constant 0 : i32
    %dma_start3A_15 = tpu.memref_slice %arg3[%dma_start3A_13, %dma_start3A_14] : memref<1000000x64xf32, #tpu.memory_space<hbm>> -> memref<1000000x64xf32, #tpu.memory_space<hbm>>
    tpu.enqueue_indirect_dma source(%dma_start3A_15 : memref<1000000x64xf32, #tpu.memory_space<hbm>>) target(%arg9 : memref<128x64xf32, #tpu.memory_space<vmem>>) offsets(%dma_start3A_12 : memref<128xi32, #tpu.memory_space<vmem>>) semaphore(%arg13 : memref<!tpu.dma_semaphore, #tpu.memory_space<semaphore_mem>>)
    %scan3A = arith.constant 0 : i32
    %scan3A_16 = arith.constant 0 : i32
    %scan3A_17 = arith.constant 100 : i32
    %scan3A_18 = arith.addi %scan3A_16, %scan3A_17 : i32
    %scan3A_19 = arith.constant 1 : i32
    scf.for %scan3A_276 = %scan3A_16 to %scan3A_18 step %scan3A_19  : i32 {
      %mul3A_277 = arith.constant 2 : i32
      %mul3A_278 = arith.muli %mul3A_277, %scan3A_276 : i32
      %add3A_279 = arith.constant 0 : i32
      %add3A_280 = arith.addi %mul3A_278, %add3A_279 : i32
      %dma_wait3A_281 = arith.constant 0 : i32
      %dma_wait3A_282 = tpu.memref_slice %arg6[%add3A_280, %dma_wait3A_281] : memref<200x128xi32, #tpu.memory_space<vmem>> -> memref<1x128xi32, #tpu.memory_space<vmem>>
      %dma_wait3A_283 = tpu.memref_squeeze %dma_wait3A_282 : memref<1x128xi32, #tpu.memory_space<vmem>> -> memref<128xi32, #tpu.memory_space<vmem>>
      %dma_wait3A_284 = arith.constant 0 : i32
      %dma_wait3A_285 = arith.constant 0 : i32
      %dma_wait3A_286 = tpu.memref_slice %arg3[%dma_wait3A_284, %dma_wait3A_285] : memref<1000000x64xf32, #tpu.memory_space<hbm>> -> memref<1000000x64xf32, #tpu.memory_space<hbm>>
      tpu.wait_indirect_dma semaphore(%arg12 : memref<!tpu.dma_semaphore, #tpu.memory_space<semaphore_mem>>) src(%dma_wait3A_286 : memref<1000000x64xf32, #tpu.memory_space<hbm>>) dst(%arg8 : memref<128x64xf32, #tpu.memory_space<vmem>>)
      %ge3A = arith.constant 2 : i32
      %ge3A_287 = arith.cmpi sge, %add3A_280, %ge3A : i32
      %convert_element_type3A = arith.extui %ge3A_287 : i1 to i32
      %cond3A = arith.constant 0 : i32
      %cond3A_288 = arith.cmpi ne, %convert_element_type3A, %cond3A : i32
      scf.if %cond3A_288 {
        %sub3A = arith.constant 2 : i32
        %sub3A_562 = arith.subi %add3A_280, %sub3A : i32
        %dma_wait3A_563 = arith.constant 0 : i32
        %dma_wait3A_564 = arith.constant 0 : i32
        %dma_wait3A_565 = arith.constant 0 : i32
        %dma_wait3A_566 = tpu.memref_slice %arg10[%dma_wait3A_564, %dma_wait3A_565] : memref<64x128xf32, #tpu.memory_space<vmem>> -> memref<8x128xf32, #tpu.memory_space<vmem>>
        %dma_wait3A_567 = arith.constant 0 : i32
        %dma_wait3A_568 = arith.constant 0 : i32
        %dma_wait3A_569 = tpu.memref_slice %arg5[%sub3A_562, %dma_wait3A_563, %add3A, %dma_wait3A_567, %dma_wait3A_568] : memref<200x8x32x8x128xf32, #tpu.memory_space<hbm>> -> memref<1x1x1x8x128xf32, #tpu.memory_space<hbm>>
        %dma_wait3A_570 = tpu.memref_squeeze %dma_wait3A_569 : memref<1x1x1x8x128xf32, #tpu.memory_space<hbm>> -> memref<8x128xf32, #tpu.memory_space<hbm>>
        %dma_wait3A_571 = arith.constant 0 : i32
        %dma_wait3A_572 = arith.constant 0 : i32
        %dma_wait3A_573 = tpu.memref_slice %arg5[%sub3A_562, %dma_wait3A_563, %add3A, %dma_wait3A_571, %dma_wait3A_572] : memref<200x8x32x8x128xf32, #tpu.memory_space<hbm>> -> memref<1x1x1x8x128xf32, #tpu.memory_space<hbm>>
        %dma_wait3A_574 = tpu.memref_squeeze %dma_wait3A_573 : memref<1x1x1x8x128xf32, #tpu.memory_space<hbm>> -> memref<8x128xf32, #tpu.memory_space<hbm>>
        %dma_wait3A_575 = arith.constant 0 : i32
        %dma_wait3A_576 = arith.constant 0 : i32
        %dma_wait3A_577 = tpu.memref_slice %arg10[%dma_wait3A_575, %dma_wait3A_576] : memref<64x128xf32, #tpu.memory_space<vmem>> -> memref<8x128xf32, #tpu.memory_space<vmem>>
        tpu.wait_dma2 semaphore(%arg14 : memref<!tpu.dma_semaphore, #tpu.memory_space<semaphore_mem>>) src(%dma_wait3A_577 : memref<8x128xf32, #tpu.memory_space<vmem>>) dst(%dma_wait3A_574 : memref<8x128xf32, #tpu.memory_space<hbm>>)
        %dma_wait3A_578 = arith.constant 1 : i32
        %dma_wait3A_579 = arith.constant 8 : i32
        %dma_wait3A_580 = arith.constant 0 : i32
        %dma_wait3A_581 = tpu.memref_slice %arg10[%dma_wait3A_579, %dma_wait3A_580] : memref<64x128xf32, #tpu.memory_space<vmem>> -> memref<8x128xf32, #tpu.memory_space<vmem>>
        %dma_wait3A_582 = arith.constant 0 : i32
        %dma_wait3A_583 = arith.constant 0 : i32
        %dma_wait3A_584 = tpu.memref_slice %arg5[%sub3A_562, %dma_wait3A_578, %add3A, %dma_wait3A_582, %dma_wait3A_583] : memref<200x8x32x8x128xf32, #tpu.memory_space<hbm>> -> memref<1x1x1x8x128xf32, #tpu.memory_space<hbm>>
        %dma_wait3A_585 = tpu.memref_squeeze %dma_wait3A_584 : memref<1x1x1x8x128xf32, #tpu.memory_space<hbm>> -> memref<8x128xf32, #tpu.memory_space<hbm>>
        %dma_wait3A_586 = arith.constant 0 : i32
        %dma_wait3A_587 = arith.constant 0 : i32
        %dma_wait3A_588 = tpu.memref_slice %arg5[%sub3A_562, %dma_wait3A_578, %add3A, %dma_wait3A_586, %dma_wait3A_587] : memref<200x8x32x8x128xf32, #tpu.memory_space<hbm>> -> memref<1x1x1x8x128xf32, #tpu.memory_space<hbm>>
        %dma_wait3A_589 = tpu.memref_squeeze %dma_wait3A_588 : memref<1x1x1x8x128xf32, #tpu.memory_space<hbm>> -> memref<8x128xf32, #tpu.memory_space<hbm>>
        %dma_wait3A_590 = arith.constant 8 : i32
        %dma_wait3A_591 = arith.constant 0 : i32
        %dma_wait3A_592 = tpu.memref_slice %arg10[%dma_wait3A_590, %dma_wait3A_591] : memref<64x128xf32, #tpu.memory_space<vmem>> -> memref<8x128xf32, #tpu.memory_space<vmem>>
        tpu.wait_dma2 semaphore(%arg14 : memref<!tpu.dma_semaphore, #tpu.memory_space<semaphore_mem>>) src(%dma_wait3A_592 : memref<8x128xf32, #tpu.memory_space<vmem>>) dst(%dma_wait3A_589 : memref<8x128xf32, #tpu.memory_space<hbm>>)
        %dma_wait3A_593 = arith.constant 2 : i32
        %dma_wait3A_594 = arith.constant 16 : i32
        %dma_wait3A_595 = arith.constant 0 : i32
        %dma_wait3A_596 = tpu.memref_slice %arg10[%dma_wait3A_594, %dma_wait3A_595] : memref<64x128xf32, #tpu.memory_space<vmem>> -> memref<8x128xf32, #tpu.memory_space<vmem>>
        %dma_wait3A_597 = arith.constant 0 : i32
        %dma_wait3A_598 = arith.constant 0 : i32
        %dma_wait3A_599 = tpu.memref_slice %arg5[%sub3A_562, %dma_wait3A_593, %add3A, %dma_wait3A_597, %dma_wait3A_598] : memref<200x8x32x8x128xf32, #tpu.memory_space<hbm>> -> memref<1x1x1x8x128xf32, #tpu.memory_space<hbm>>
        %dma_wait3A_600 = tpu.memref_squeeze %dma_wait3A_599 : memref<1x1x1x8x128xf32, #tpu.memory_space<hbm>> -> memref<8x128xf32, #tpu.memory_space<hbm>>
        %dma_wait3A_601 = arith.constant 0 : i32
        %dma_wait3A_602 = arith.constant 0 : i32
        %dma_wait3A_603 = tpu.memref_slice %arg5[%sub3A_562, %dma_wait3A_593, %add3A, %dma_wait3A_601, %dma_wait3A_602] : memref<200x8x32x8x128xf32, #tpu.memory_space<hbm>> -> memref<1x1x1x8x128xf32, #tpu.memory_space<hbm>>
        %dma_wait3A_604 = tpu.memref_squeeze %dma_wait3A_603 : memref<1x1x1x8x128xf32, #tpu.memory_space<hbm>> -> memref<8x128xf32, #tpu.memory_space<hbm>>
        %dma_wait3A_605 = arith.constant 16 : i32
        %dma_wait3A_606 = arith.constant 0 : i32
        %dma_wait3A_607 = tpu.memref_slice %arg10[%dma_wait3A_605, %dma_wait3A_606] : memref<64x128xf32, #tpu.memory_space<vmem>> -> memref<8x128xf32, #tpu.memory_space<vmem>>
        tpu.wait_dma2 semaphore(%arg14 : memref<!tpu.dma_semaphore, #tpu.memory_space<semaphore_mem>>) src(%dma_wait3A_607 : memref<8x128xf32, #tpu.memory_space<vmem>>) dst(%dma_wait3A_604 : memref<8x128xf32, #tpu.memory_space<hbm>>)
        %dma_wait3A_608 = arith.constant 3 : i32
        %dma_wait3A_609 = arith.constant 24 : i32
        %dma_wait3A_610 = arith.constant 0 : i32
        %dma_wait3A_611 = tpu.memref_slice %arg10[%dma_wait3A_609, %dma_wait3A_610] : memref<64x128xf32, #tpu.memory_space<vmem>> -> memref<8x128xf32, #tpu.memory_space<vmem>>
        %dma_wait3A_612 = arith.constant 0 : i32
        %dma_wait3A_613 = arith.constant 0 : i32
        %dma_wait3A_614 = tpu.memref_slice %arg5[%sub3A_562, %dma_wait3A_608, %add3A, %dma_wait3A_612, %dma_wait3A_613] : memref<200x8x32x8x128xf32, #tpu.memory_space<hbm>> -> memref<1x1x1x8x128xf32, #tpu.memory_space<hbm>>
        %dma_wait3A_615 = tpu.memref_squeeze %dma_wait3A_614 : memref<1x1x1x8x128xf32, #tpu.memory_space<hbm>> -> memref<8x128xf32, #tpu.memory_space<hbm>>
        %dma_wait3A_616 = arith.constant 0 : i32
        %dma_wait3A_617 = arith.constant 0 : i32
        %dma_wait3A_618 = tpu.memref_slice %arg5[%sub3A_562, %dma_wait3A_608, %add3A, %dma_wait3A_616, %dma_wait3A_617] : memref<200x8x32x8x128xf32, #tpu.memory_space<hbm>> -> memref<1x1x1x8x128xf32, #tpu.memory_space<hbm>>
        %dma_wait3A_619 = tpu.memref_squeeze %dma_wait3A_618 : memref<1x1x1x8x128xf32, #tpu.memory_space<hbm>> -> memref<8x128xf32, #tpu.memory_space<hbm>>
        %dma_wait3A_620 = arith.constant 24 : i32
        %dma_wait3A_621 = arith.constant 0 : i32
        %dma_wait3A_622 = tpu.memref_slice %arg10[%dma_wait3A_620, %dma_wait3A_621] : memref<64x128xf32, #tpu.memory_space<vmem>> -> memref<8x128xf32, #tpu.memory_space<vmem>>
        tpu.wait_dma2 semaphore(%arg14 : memref<!tpu.dma_semaphore, #tpu.memory_space<semaphore_mem>>) src(%dma_wait3A_622 : memref<8x128xf32, #tpu.memory_space<vmem>>) dst(%dma_wait3A_619 : memref<8x128xf32, #tpu.memory_space<hbm>>)
        %dma_wait3A_623 = arith.constant 4 : i32
        %dma_wait3A_624 = arith.constant 32 : i32
        %dma_wait3A_625 = arith.constant 0 : i32
        %dma_wait3A_626 = tpu.memref_slice %arg10[%dma_wait3A_624, %dma_wait3A_625] : memref<64x128xf32, #tpu.memory_space<vmem>> -> memref<8x128xf32, #tpu.memory_space<vmem>>
        %dma_wait3A_627 = arith.constant 0 : i32
        %dma_wait3A_628 = arith.constant 0 : i32
        %dma_wait3A_629 = tpu.memref_slice %arg5[%sub3A_562, %dma_wait3A_623, %add3A, %dma_wait3A_627, %dma_wait3A_628] : memref<200x8x32x8x128xf32, #tpu.memory_space<hbm>> -> memref<1x1x1x8x128xf32, #tpu.memory_space<hbm>>
        %dma_wait3A_630 = tpu.memref_squeeze %dma_wait3A_629 : memref<1x1x1x8x128xf32, #tpu.memory_space<hbm>> -> memref<8x128xf32, #tpu.memory_space<hbm>>
        %dma_wait3A_631 = arith.constant 0 : i32
        %dma_wait3A_632 = arith.constant 0 : i32
        %dma_wait3A_633 = tpu.memref_slice %arg5[%sub3A_562, %dma_wait3A_623, %add3A, %dma_wait3A_631, %dma_wait3A_632] : memref<200x8x32x8x128xf32, #tpu.memory_space<hbm>> -> memref<1x1x1x8x128xf32, #tpu.memory_space<hbm>>
        %dma_wait3A_634 = tpu.memref_squeeze %dma_wait3A_633 : memref<1x1x1x8x128xf32, #tpu.memory_space<hbm>> -> memref<8x128xf32, #tpu.memory_space<hbm>>
        %dma_wait3A_635 = arith.constant 32 : i32
        %dma_wait3A_636 = arith.constant 0 : i32
        %dma_wait3A_637 = tpu.memref_slice %arg10[%dma_wait3A_635, %dma_wait3A_636] : memref<64x128xf32, #tpu.memory_space<vmem>> -> memref<8x128xf32, #tpu.memory_space<vmem>>
        tpu.wait_dma2 semaphore(%arg14 : memref<!tpu.dma_semaphore, #tpu.memory_space<semaphore_mem>>) src(%dma_wait3A_637 : memref<8x128xf32, #tpu.memory_space<vmem>>) dst(%dma_wait3A_634 : memref<8x128xf32, #tpu.memory_space<hbm>>)
        %dma_wait3A_638 = arith.constant 5 : i32
        %dma_wait3A_639 = arith.constant 40 : i32
        %dma_wait3A_640 = arith.constant 0 : i32
        %dma_wait3A_641 = tpu.memref_slice %arg10[%dma_wait3A_639, %dma_wait3A_640] : memref<64x128xf32, #tpu.memory_space<vmem>> -> memref<8x128xf32, #tpu.memory_space<vmem>>
        %dma_wait3A_642 = arith.constant 0 : i32
        %dma_wait3A_643 = arith.constant 0 : i32
        %dma_wait3A_644 = tpu.memref_slice %arg5[%sub3A_562, %dma_wait3A_638, %add3A, %dma_wait3A_642, %dma_wait3A_643] : memref<200x8x32x8x128xf32, #tpu.memory_space<hbm>> -> memref<1x1x1x8x128xf32, #tpu.memory_space<hbm>>
        %dma_wait3A_645 = tpu.memref_squeeze %dma_wait3A_644 : memref<1x1x1x8x128xf32, #tpu.memory_space<hbm>> -> memref<8x128xf32, #tpu.memory_space<hbm>>
        %dma_wait3A_646 = arith.constant 0 : i32
        %dma_wait3A_647 = arith.constant 0 : i32
        %dma_wait3A_648 = tpu.memref_slice %arg5[%sub3A_562, %dma_wait3A_638, %add3A, %dma_wait3A_646, %dma_wait3A_647] : memref<200x8x32x8x128xf32, #tpu.memory_space<hbm>> -> memref<1x1x1x8x128xf32, #tpu.memory_space<hbm>>
        %dma_wait3A_649 = tpu.memref_squeeze %dma_wait3A_648 : memref<1x1x1x8x128xf32, #tpu.memory_space<hbm>> -> memref<8x128xf32, #tpu.memory_space<hbm>>
        %dma_wait3A_650 = arith.constant 40 : i32
        %dma_wait3A_651 = arith.constant 0 : i32
        %dma_wait3A_652 = tpu.memref_slice %arg10[%dma_wait3A_650, %dma_wait3A_651] : memref<64x128xf32, #tpu.memory_space<vmem>> -> memref<8x128xf32, #tpu.memory_space<vmem>>
        tpu.wait_dma2 semaphore(%arg14 : memref<!tpu.dma_semaphore, #tpu.memory_space<semaphore_mem>>) src(%dma_wait3A_652 : memref<8x128xf32, #tpu.memory_space<vmem>>) dst(%dma_wait3A_649 : memref<8x128xf32, #tpu.memory_space<hbm>>)
        %dma_wait3A_653 = arith.constant 6 : i32
        %dma_wait3A_654 = arith.constant 48 : i32
        %dma_wait3A_655 = arith.constant 0 : i32
        %dma_wait3A_656 = tpu.memref_slice %arg10[%dma_wait3A_654, %dma_wait3A_655] : memref<64x128xf32, #tpu.memory_space<vmem>> -> memref<8x128xf32, #tpu.memory_space<vmem>>
        %dma_wait3A_657 = arith.constant 0 : i32
        %dma_wait3A_658 = arith.constant 0 : i32
        %dma_wait3A_659 = tpu.memref_slice %arg5[%sub3A_562, %dma_wait3A_653, %add3A, %dma_wait3A_657, %dma_wait3A_658] : memref<200x8x32x8x128xf32, #tpu.memory_space<hbm>> -> memref<1x1x1x8x128xf32, #tpu.memory_space<hbm>>
        %dma_wait3A_660 = tpu.memref_squeeze %dma_wait3A_659 : memref<1x1x1x8x128xf32, #tpu.memory_space<hbm>> -> memref<8x128xf32, #tpu.memory_space<hbm>>
        %dma_wait3A_661 = arith.constant 0 : i32
        %dma_wait3A_662 = arith.constant 0 : i32
        %dma_wait3A_663 = tpu.memref_slice %arg5[%sub3A_562, %dma_wait3A_653, %add3A, %dma_wait3A_661, %dma_wait3A_662] : memref<200x8x32x8x128xf32, #tpu.memory_space<hbm>> -> memref<1x1x1x8x128xf32, #tpu.memory_space<hbm>>
        %dma_wait3A_664 = tpu.memref_squeeze %dma_wait3A_663 : memref<1x1x1x8x128xf32, #tpu.memory_space<hbm>> -> memref<8x128xf32, #tpu.memory_space<hbm>>
        %dma_wait3A_665 = arith.constant 48 : i32
        %dma_wait3A_666 = arith.constant 0 : i32
        %dma_wait3A_667 = tpu.memref_slice %arg10[%dma_wait3A_665, %dma_wait3A_666] : memref<64x128xf32, #tpu.memory_space<vmem>> -> memref<8x128xf32, #tpu.memory_space<vmem>>
        tpu.wait_dma2 semaphore(%arg14 : memref<!tpu.dma_semaphore, #tpu.memory_space<semaphore_mem>>) src(%dma_wait3A_667 : memref<8x128xf32, #tpu.memory_space<vmem>>) dst(%dma_wait3A_664 : memref<8x128xf32, #tpu.memory_space<hbm>>)
        %dma_wait3A_668 = arith.constant 7 : i32
        %dma_wait3A_669 = arith.constant 56 : i32
        %dma_wait3A_670 = arith.constant 0 : i32
        %dma_wait3A_671 = tpu.memref_slice %arg10[%dma_wait3A_669, %dma_wait3A_670] : memref<64x128xf32, #tpu.memory_space<vmem>> -> memref<8x128xf32, #tpu.memory_space<vmem>>
        %dma_wait3A_672 = arith.constant 0 : i32
        %dma_wait3A_673 = arith.constant 0 : i32
        %dma_wait3A_674 = tpu.memref_slice %arg5[%sub3A_562, %dma_wait3A_668, %add3A, %dma_wait3A_672, %dma_wait3A_673] : memref<200x8x32x8x128xf32, #tpu.memory_space<hbm>> -> memref<1x1x1x8x128xf32, #tpu.memory_space<hbm>>
        %dma_wait3A_675 = tpu.memref_squeeze %dma_wait3A_674 : memref<1x1x1x8x128xf32, #tpu.memory_space<hbm>> -> memref<8x128xf32, #tpu.memory_space<hbm>>
        %dma_wait3A_676 = arith.constant 0 : i32
        %dma_wait3A_677 = arith.constant 0 : i32
        %dma_wait3A_678 = tpu.memref_slice %arg5[%sub3A_562, %dma_wait3A_668, %add3A, %dma_wait3A_676, %dma_wait3A_677] : memref<200x8x32x8x128xf32, #tpu.memory_space<hbm>> -> memref<1x1x1x8x128xf32, #tpu.memory_space<hbm>>
        %dma_wait3A_679 = tpu.memref_squeeze %dma_wait3A_678 : memref<1x1x1x8x128xf32, #tpu.memory_space<hbm>> -> memref<8x128xf32, #tpu.memory_space<hbm>>
        %dma_wait3A_680 = arith.constant 56 : i32
        %dma_wait3A_681 = arith.constant 0 : i32
        %dma_wait3A_682 = tpu.memref_slice %arg10[%dma_wait3A_680, %dma_wait3A_681] : memref<64x128xf32, #tpu.memory_space<vmem>> -> memref<8x128xf32, #tpu.memory_space<vmem>>
        tpu.wait_dma2 semaphore(%arg14 : memref<!tpu.dma_semaphore, #tpu.memory_space<semaphore_mem>>) src(%dma_wait3A_682 : memref<8x128xf32, #tpu.memory_space<vmem>>) dst(%dma_wait3A_679 : memref<8x128xf32, #tpu.memory_space<hbm>>)
      } else {
      }
      %parallel_loop3A = arith.constant 0 : i32
      %parallel_loop3A_289 = arith.constant 64 : i32
      %parallel_loop3A_290 = arith.constant 1 : i32
      scf.for %parallel_loop3A_562 = %parallel_loop3A to %parallel_loop3A_289 step %parallel_loop3A_290  : i32 {
        %parallel_loop3A_563 = tpu.iota {dimensions = array<i32: 0>} : vector<16xi32>
        %parallel_loop3A_564 = vector.broadcast %parallel_loop3A_562 : i32 to vector<16xi32>
        %parallel_loop3A_565 = arith.addi %parallel_loop3A_563, %parallel_loop3A_564 : vector<16xi32>
        %parallel_loop3A_566 = arith.constant 63 : i32
        %parallel_loop3A_567 = vector.broadcast %parallel_loop3A_566 : i32 to vector<16xi32>
        %parallel_loop3A_568 = arith.andi %parallel_loop3A_565, %parallel_loop3A_567 : vector<16xi32>
        %parallel_loop3A_569 = vector.broadcast %add3A_280 : i32 to vector<16xi32>
        %parallel_loop3A_570 = tpu.vector_load_idx %arg7[%parallel_loop3A_569, %parallel_loop3A_568] : memref<200x64xf32, #tpu.memory_space<vmem>>[vector<16xi32>, vector<16xi32>], vector<16xf32>,
        %parallel_loop3A_571 = tpu.iota {dimensions = array<i32: 0>} : vector<16xi32>
        %parallel_loop3A_572 = arith.constant 0 : i32
        %parallel_loop3A_573 = vector.broadcast %parallel_loop3A_572 : i32 to vector<16xi32>
        %parallel_loop3A_574 = arith.addi %parallel_loop3A_571, %parallel_loop3A_573 : vector<16xi32>
        %parallel_loop3A_575 = tpu.vector_load_idx %arg8[%parallel_loop3A_574, %parallel_loop3A_568] : memref<128x64xf32, #tpu.memory_space<vmem>>[vector<16xi32>, vector<16xi32>], vector<16xf32>,
        %parallel_loop3A_576 = arith.addf %parallel_loop3A_575, %parallel_loop3A_570 : vector<16xf32>
        tpu.vector_store_idx %arg10[%parallel_loop3A_568, %parallel_loop3A_574], %parallel_loop3A_576 : memref<64x128xf32, #tpu.memory_space<vmem>>[vector<16xi32>, vector<16xi32>], vector<16xf32>,
        %parallel_loop3A_577 = tpu.iota {dimensions = array<i32: 0>} : vector<16xi32>
        %parallel_loop3A_578 = arith.constant 16 : i32
        %parallel_loop3A_579 = vector.broadcast %parallel_loop3A_578 : i32 to vector<16xi32>
        %parallel_loop3A_580 = arith.addi %parallel_loop3A_577, %parallel_loop3A_579 : vector<16xi32>
        %parallel_loop3A_581 = tpu.vector_load_idx %arg8[%parallel_loop3A_580, %parallel_loop3A_568] : memref<128x64xf32, #tpu.memory_space<vmem>>[vector<16xi32>, vector<16xi32>], vector<16xf32>,
        %parallel_loop3A_582 = arith.addf %parallel_loop3A_581, %parallel_loop3A_570 : vector<16xf32>
        tpu.vector_store_idx %arg10[%parallel_loop3A_568, %parallel_loop3A_580], %parallel_loop3A_582 : memref<64x128xf32, #tpu.memory_space<vmem>>[vector<16xi32>, vector<16xi32>], vector<16xf32>,
        %parallel_loop3A_583 = tpu.iota {dimensions = array<i32: 0>} : vector<16xi32>
        %parallel_loop3A_584 = arith.constant 32 : i32
        %parallel_loop3A_585 = vector.broadcast %parallel_loop3A_584 : i32 to vector<16xi32>
        %parallel_loop3A_586 = arith.addi %parallel_loop3A_583, %parallel_loop3A_585 : vector<16xi32>
        %parallel_loop3A_587 = tpu.vector_load_idx %arg8[%parallel_loop3A_586, %parallel_loop3A_568] : memref<128x64xf32, #tpu.memory_space<vmem>>[vector<16xi32>, vector<16xi32>], vector<16xf32>,
        %parallel_loop3A_588 = arith.addf %parallel_loop3A_587, %parallel_loop3A_570 : vector<16xf32>
        tpu.vector_store_idx %arg10[%parallel_loop3A_568, %parallel_loop3A_586], %parallel_loop3A_588 : memref<64x128xf32, #tpu.memory_space<vmem>>[vector<16xi32>, vector<16xi32>], vector<16xf32>,
        %parallel_loop3A_589 = tpu.iota {dimensions = array<i32: 0>} : vector<16xi32>
        %parallel_loop3A_590 = arith.constant 48 : i32
        %parallel_loop3A_591 = vector.broadcast %parallel_loop3A_590 : i32 to vector<16xi32>
        %parallel_loop3A_592 = arith.addi %parallel_loop3A_589, %parallel_loop3A_591 : vector<16xi32>
        %parallel_loop3A_593 = tpu.vector_load_idx %arg8[%parallel_loop3A_592, %parallel_loop3A_568] : memref<128x64xf32, #tpu.memory_space<vmem>>[vector<16xi32>, vector<16xi32>], vector<16xf32>,
        %parallel_loop3A_594 = arith.addf %parallel_loop3A_593, %parallel_loop3A_570 : vector<16xf32>
        tpu.vector_store_idx %arg10[%parallel_loop3A_568, %parallel_loop3A_592], %parallel_loop3A_594 : memref<64x128xf32, #tpu.memory_space<vmem>>[vector<16xi32>, vector<16xi32>], vector<16xf32>,
        %parallel_loop3A_595 = tpu.iota {dimensions = array<i32: 0>} : vector<16xi32>
        %parallel_loop3A_596 = arith.constant 64 : i32
        %parallel_loop3A_597 = vector.broadcast %parallel_loop3A_596 : i32 to vector<16xi32>
        %parallel_loop3A_598 = arith.addi %parallel_loop3A_595, %parallel_loop3A_597 : vector<16xi32>
        %parallel_loop3A_599 = tpu.vector_load_idx %arg8[%parallel_loop3A_598, %parallel_loop3A_568] : memref<128x64xf32, #tpu.memory_space<vmem>>[vector<16xi32>, vector<16xi32>], vector<16xf32>,
        %parallel_loop3A_600 = arith.addf %parallel_loop3A_599, %parallel_loop3A_570 : vector<16xf32>
        tpu.vector_store_idx %arg10[%parallel_loop3A_568, %parallel_loop3A_598], %parallel_loop3A_600 : memref<64x128xf32, #tpu.memory_space<vmem>>[vector<16xi32>, vector<16xi32>], vector<16xf32>,
        %parallel_loop3A_601 = tpu.iota {dimensions = array<i32: 0>} : vector<16xi32>
        %parallel_loop3A_602 = arith.constant 80 : i32
        %parallel_loop3A_603 = vector.broadcast %parallel_loop3A_602 : i32 to vector<16xi32>
        %parallel_loop3A_604 = arith.addi %parallel_loop3A_601, %parallel_loop3A_603 : vector<16xi32>
        %parallel_loop3A_605 = tpu.vector_load_idx %arg8[%parallel_loop3A_604, %parallel_loop3A_568] : memref<128x64xf32, #tpu.memory_space<vmem>>[vector<16xi32>, vector<16xi32>], vector<16xf32>,
        %parallel_loop3A_606 = arith.addf %parallel_loop3A_605, %parallel_loop3A_570 : vector<16xf32>
        tpu.vector_store_idx %arg10[%parallel_loop3A_568, %parallel_loop3A_604], %parallel_loop3A_606 : memref<64x128xf32, #tpu.memory_space<vmem>>[vector<16xi32>, vector<16xi32>], vector<16xf32>,
        %parallel_loop3A_607 = tpu.iota {dimensions = array<i32: 0>} : vector<16xi32>
        %parallel_loop3A_608 = arith.constant 96 : i32
        %parallel_loop3A_609 = vector.broadcast %parallel_loop3A_608 : i32 to vector<16xi32>
        %parallel_loop3A_610 = arith.addi %parallel_loop3A_607, %parallel_loop3A_609 : vector<16xi32>
        %parallel_loop3A_611 = tpu.vector_load_idx %arg8[%parallel_loop3A_610, %parallel_loop3A_568] : memref<128x64xf32, #tpu.memory_space<vmem>>[vector<16xi32>, vector<16xi32>], vector<16xf32>,
        %parallel_loop3A_612 = arith.addf %parallel_loop3A_611, %parallel_loop3A_570 : vector<16xf32>
        tpu.vector_store_idx %arg10[%parallel_loop3A_568, %parallel_loop3A_610], %parallel_loop3A_612 : memref<64x128xf32, #tpu.memory_space<vmem>>[vector<16xi32>, vector<16xi32>], vector<16xf32>,
        %parallel_loop3A_613 = tpu.iota {dimensions = array<i32: 0>} : vector<16xi32>
        %parallel_loop3A_614 = arith.constant 112 : i32
        %parallel_loop3A_615 = vector.broadcast %parallel_loop3A_614 : i32 to vector<16xi32>
        %parallel_loop3A_616 = arith.addi %parallel_loop3A_613, %parallel_loop3A_615 : vector<16xi32>
        %parallel_loop3A_617 = tpu.vector_load_idx %arg8[%parallel_loop3A_616, %parallel_loop3A_568] : memref<128x64xf32, #tpu.memory_space<vmem>>[vector<16xi32>, vector<16xi32>], vector<16xf32>,
        %parallel_loop3A_618 = arith.addf %parallel_loop3A_617, %parallel_loop3A_570 : vector<16xf32>
        tpu.vector_store_idx %arg10[%parallel_loop3A_568, %parallel_loop3A_616], %parallel_loop3A_618 : memref<64x128xf32, #tpu.memory_space<vmem>>[vector<16xi32>, vector<16xi32>], vector<16xf32>,
      } {sc.loop_unroll_factor = 4 : i64, sc.parallel_access}
      %add3A_291 = arith.constant 2 : i32
      %add3A_292 = arith.addi %add3A_280, %add3A_291 : i32
      %lt3A = arith.constant 200 : i32
      %lt3A_293 = arith.cmpi slt, %add3A_292, %lt3A : i32
      %convert_element_type3A_294 = arith.extui %lt3A_293 : i1 to i32
      %cond3A_295 = arith.constant 0 : i32
      %cond3A_296 = arith.cmpi ne, %convert_element_type3A_294, %cond3A_295 : i32
      scf.if %cond3A_296 {
        %add3A_562 = arith.constant 2 : i32
        %add3A_563 = arith.addi %add3A_280, %add3A_562 : i32
        %dma_start3A_564 = arith.constant 0 : i32
        %dma_start3A_565 = tpu.memref_slice %arg6[%add3A_563, %dma_start3A_564] : memref<200x128xi32, #tpu.memory_space<vmem>> -> memref<1x128xi32, #tpu.memory_space<vmem>>
        %dma_start3A_566 = tpu.memref_squeeze %dma_start3A_565 : memref<1x128xi32, #tpu.memory_space<vmem>> -> memref<128xi32, #tpu.memory_space<vmem>>
        %dma_start3A_567 = arith.constant 0 : i32
        %dma_start3A_568 = arith.constant 0 : i32
        %dma_start3A_569 = tpu.memref_slice %arg3[%dma_start3A_567, %dma_start3A_568] : memref<1000000x64xf32, #tpu.memory_space<hbm>> -> memref<1000000x64xf32, #tpu.memory_space<hbm>>
        tpu.enqueue_indirect_dma source(%dma_start3A_569 : memref<1000000x64xf32, #tpu.memory_space<hbm>>) target(%arg8 : memref<128x64xf32, #tpu.memory_space<vmem>>) offsets(%dma_start3A_566 : memref<128xi32, #tpu.memory_space<vmem>>) semaphore(%arg12 : memref<!tpu.dma_semaphore, #tpu.memory_space<semaphore_mem>>)
      } else {
      }
      %dma_start3A_297 = arith.constant 0 : i32
      %dma_start3A_298 = arith.constant 0 : i32
      %dma_start3A_299 = arith.constant 0 : i32
      %dma_start3A_300 = tpu.memref_slice %arg10[%dma_start3A_298, %dma_start3A_299] : memref<64x128xf32, #tpu.memory_space<vmem>> -> memref<8x128xf32, #tpu.memory_space<vmem>>
      %dma_start3A_301 = arith.constant 0 : i32
      %dma_start3A_302 = arith.constant 0 : i32
      %dma_start3A_303 = tpu.memref_slice %arg5[%add3A_280, %dma_start3A_297, %add3A, %dma_start3A_301, %dma_start3A_302] : memref<200x8x32x8x128xf32, #tpu.memory_space<hbm>> -> memref<1x1x1x8x128xf32, #tpu.memory_space<hbm>>
      %dma_start3A_304 = tpu.memref_squeeze %dma_start3A_303 : memref<1x1x1x8x128xf32, #tpu.memory_space<hbm>> -> memref<8x128xf32, #tpu.memory_space<hbm>>
      %dma_start3A_305 = arith.constant 0 : i32
      %dma_start3A_306 = arith.constant 0 : i32
      %dma_start3A_307 = tpu.memref_slice %arg5[%add3A_280, %dma_start3A_297, %add3A, %dma_start3A_305, %dma_start3A_306] : memref<200x8x32x8x128xf32, #tpu.memory_space<hbm>> -> memref<1x1x1x8x128xf32, #tpu.memory_space<hbm>>
      %dma_start3A_308 = tpu.memref_squeeze %dma_start3A_307 : memref<1x1x1x8x128xf32, #tpu.memory_space<hbm>> -> memref<8x128xf32, #tpu.memory_space<hbm>>
      %dma_start3A_309 = arith.constant 0 : i32
      %dma_start3A_310 = arith.constant 0 : i32
      %dma_start3A_311 = tpu.memref_slice %arg10[%dma_start3A_309, %dma_start3A_310] : memref<64x128xf32, #tpu.memory_space<vmem>> -> memref<8x128xf32, #tpu.memory_space<vmem>>
      tpu.enqueue_dma source(%dma_start3A_311 : memref<8x128xf32, #tpu.memory_space<vmem>>) target(%dma_start3A_308 : memref<8x128xf32, #tpu.memory_space<hbm>>) target_semaphore(%arg14 : memref<!tpu.dma_semaphore, #tpu.memory_space<semaphore_mem>>)
      %dma_start3A_312 = arith.constant 1 : i32
      %dma_start3A_313 = arith.constant 8 : i32
      %dma_start3A_314 = arith.constant 0 : i32
      %dma_start3A_315 = tpu.memref_slice %arg10[%dma_start3A_313, %dma_start3A_314] : memref<64x128xf32, #tpu.memory_space<vmem>> -> memref<8x128xf32, #tpu.memory_space<vmem>>
      %dma_start3A_316 = arith.constant 0 : i32
      %dma_start3A_317 = arith.constant 0 : i32
      %dma_start3A_318 = tpu.memref_slice %arg5[%add3A_280, %dma_start3A_312, %add3A, %dma_start3A_316, %dma_start3A_317] : memref<200x8x32x8x128xf32, #tpu.memory_space<hbm>> -> memref<1x1x1x8x128xf32, #tpu.memory_space<hbm>>
      %dma_start3A_319 = tpu.memref_squeeze %dma_start3A_318 : memref<1x1x1x8x128xf32, #tpu.memory_space<hbm>> -> memref<8x128xf32, #tpu.memory_space<hbm>>
      %dma_start3A_320 = arith.constant 0 : i32
      %dma_start3A_321 = arith.constant 0 : i32
      %dma_start3A_322 = tpu.memref_slice %arg5[%add3A_280, %dma_start3A_312, %add3A, %dma_start3A_320, %dma_start3A_321] : memref<200x8x32x8x128xf32, #tpu.memory_space<hbm>> -> memref<1x1x1x8x128xf32, #tpu.memory_space<hbm>>
      %dma_start3A_323 = tpu.memref_squeeze %dma_start3A_322 : memref<1x1x1x8x128xf32, #tpu.memory_space<hbm>> -> memref<8x128xf32, #tpu.memory_space<hbm>>
      %dma_start3A_324 = arith.constant 8 : i32
      %dma_start3A_325 = arith.constant 0 : i32
      %dma_start3A_326 = tpu.memref_slice %arg10[%dma_start3A_324, %dma_start3A_325] : memref<64x128xf32, #tpu.memory_space<vmem>> -> memref<8x128xf32, #tpu.memory_space<vmem>>
      tpu.enqueue_dma source(%dma_start3A_326 : memref<8x128xf32, #tpu.memory_space<vmem>>) target(%dma_start3A_323 : memref<8x128xf32, #tpu.memory_space<hbm>>) target_semaphore(%arg14 : memref<!tpu.dma_semaphore, #tpu.memory_space<semaphore_mem>>)
      %dma_start3A_327 = arith.constant 2 : i32
      %dma_start3A_328 = arith.constant 16 : i32
      %dma_start3A_329 = arith.constant 0 : i32
      %dma_start3A_330 = tpu.memref_slice %arg10[%dma_start3A_328, %dma_start3A_329] : memref<64x128xf32, #tpu.memory_space<vmem>> -> memref<8x128xf32, #tpu.memory_space<vmem>>
      %dma_start3A_331 = arith.constant 0 : i32
      %dma_start3A_332 = arith.constant 0 : i32
      %dma_start3A_333 = tpu.memref_slice %arg5[%add3A_280, %dma_start3A_327, %add3A, %dma_start3A_331, %dma_start3A_332] : memref<200x8x32x8x128xf32, #tpu.memory_space<hbm>> -> memref<1x1x1x8x128xf32, #tpu.memory_space<hbm>>
      %dma_start3A_334 = tpu.memref_squeeze %dma_start3A_333 : memref<1x1x1x8x128xf32, #tpu.memory_space<hbm>> -> memref<8x128xf32, #tpu.memory_space<hbm>>
      %dma_start3A_335 = arith.constant 0 : i32
      %dma_start3A_336 = arith.constant 0 : i32
      %dma_start3A_337 = tpu.memref_slice %arg5[%add3A_280, %dma_start3A_327, %add3A, %dma_start3A_335, %dma_start3A_336] : memref<200x8x32x8x128xf32, #tpu.memory_space<hbm>> -> memref<1x1x1x8x128xf32, #tpu.memory_space<hbm>>
      %dma_start3A_338 = tpu.memref_squeeze %dma_start3A_337 : memref<1x1x1x8x128xf32, #tpu.memory_space<hbm>> -> memref<8x128xf32, #tpu.memory_space<hbm>>
      %dma_start3A_339 = arith.constant 16 : i32
      %dma_start3A_340 = arith.constant 0 : i32
      %dma_start3A_341 = tpu.memref_slice %arg10[%dma_start3A_339, %dma_start3A_340] : memref<64x128xf32, #tpu.memory_space<vmem>> -> memref<8x128xf32, #tpu.memory_space<vmem>>
      tpu.enqueue_dma source(%dma_start3A_341 : memref<8x128xf32, #tpu.memory_space<vmem>>) target(%dma_start3A_338 : memref<8x128xf32, #tpu.memory_space<hbm>>) target_semaphore(%arg14 : memref<!tpu.dma_semaphore, #tpu.memory_space<semaphore_mem>>)
      %dma_start3A_342 = arith.constant 3 : i32
      %dma_start3A_343 = arith.constant 24 : i32
      %dma_start3A_344 = arith.constant 0 : i32
      %dma_start3A_345 = tpu.memref_slice %arg10[%dma_start3A_343, %dma_start3A_344] : memref<64x128xf32, #tpu.memory_space<vmem>> -> memref<8x128xf32, #tpu.memory_space<vmem>>
      %dma_start3A_346 = arith.constant 0 : i32
      %dma_start3A_347 = arith.constant 0 : i32
      %dma_start3A_348 = tpu.memref_slice %arg5[%add3A_280, %dma_start3A_342, %add3A, %dma_start3A_346, %dma_start3A_347] : memref<200x8x32x8x128xf32, #tpu.memory_space<hbm>> -> memref<1x1x1x8x128xf32, #tpu.memory_space<hbm>>
      %dma_start3A_349 = tpu.memref_squeeze %dma_start3A_348 : memref<1x1x1x8x128xf32, #tpu.memory_space<hbm>> -> memref<8x128xf32, #tpu.memory_space<hbm>>
      %dma_start3A_350 = arith.constant 0 : i32
      %dma_start3A_351 = arith.constant 0 : i32
      %dma_start3A_352 = tpu.memref_slice %arg5[%add3A_280, %dma_start3A_342, %add3A, %dma_start3A_350, %dma_start3A_351] : memref<200x8x32x8x128xf32, #tpu.memory_space<hbm>> -> memref<1x1x1x8x128xf32, #tpu.memory_space<hbm>>
      %dma_start3A_353 = tpu.memref_squeeze %dma_start3A_352 : memref<1x1x1x8x128xf32, #tpu.memory_space<hbm>> -> memref<8x128xf32, #tpu.memory_space<hbm>>
      %dma_start3A_354 = arith.constant 24 : i32
      %dma_start3A_355 = arith.constant 0 : i32
      %dma_start3A_356 = tpu.memref_slice %arg10[%dma_start3A_354, %dma_start3A_355] : memref<64x128xf32, #tpu.memory_space<vmem>> -> memref<8x128xf32, #tpu.memory_space<vmem>>
      tpu.enqueue_dma source(%dma_start3A_356 : memref<8x128xf32, #tpu.memory_space<vmem>>) target(%dma_start3A_353 : memref<8x128xf32, #tpu.memory_space<hbm>>) target_semaphore(%arg14 : memref<!tpu.dma_semaphore, #tpu.memory_space<semaphore_mem>>)
      %dma_start3A_357 = arith.constant 4 : i32
      %dma_start3A_358 = arith.constant 32 : i32
      %dma_start3A_359 = arith.constant 0 : i32
      %dma_start3A_360 = tpu.memref_slice %arg10[%dma_start3A_358, %dma_start3A_359] : memref<64x128xf32, #tpu.memory_space<vmem>> -> memref<8x128xf32, #tpu.memory_space<vmem>>
      %dma_start3A_361 = arith.constant 0 : i32
      %dma_start3A_362 = arith.constant 0 : i32
      %dma_start3A_363 = tpu.memref_slice %arg5[%add3A_280, %dma_start3A_357, %add3A, %dma_start3A_361, %dma_start3A_362] : memref<200x8x32x8x128xf32, #tpu.memory_space<hbm>> -> memref<1x1x1x8x128xf32, #tpu.memory_space<hbm>>
      %dma_start3A_364 = tpu.memref_squeeze %dma_start3A_363 : memref<1x1x1x8x128xf32, #tpu.memory_space<hbm>> -> memref<8x128xf32, #tpu.memory_space<hbm>>
      %dma_start3A_365 = arith.constant 0 : i32
      %dma_start3A_366 = arith.constant 0 : i32
      %dma_start3A_367 = tpu.memref_slice %arg5[%add3A_280, %dma_start3A_357, %add3A, %dma_start3A_365, %dma_start3A_366] : memref<200x8x32x8x128xf32, #tpu.memory_space<hbm>> -> memref<1x1x1x8x128xf32, #tpu.memory_space<hbm>>
      %dma_start3A_368 = tpu.memref_squeeze %dma_start3A_367 : memref<1x1x1x8x128xf32, #tpu.memory_space<hbm>> -> memref<8x128xf32, #tpu.memory_space<hbm>>
      %dma_start3A_369 = arith.constant 32 : i32
      %dma_start3A_370 = arith.constant 0 : i32
      %dma_start3A_371 = tpu.memref_slice %arg10[%dma_start3A_369, %dma_start3A_370] : memref<64x128xf32, #tpu.memory_space<vmem>> -> memref<8x128xf32, #tpu.memory_space<vmem>>
      tpu.enqueue_dma source(%dma_start3A_371 : memref<8x128xf32, #tpu.memory_space<vmem>>) target(%dma_start3A_368 : memref<8x128xf32, #tpu.memory_space<hbm>>) target_semaphore(%arg14 : memref<!tpu.dma_semaphore, #tpu.memory_space<semaphore_mem>>)
      %dma_start3A_372 = arith.constant 5 : i32
      %dma_start3A_373 = arith.constant 40 : i32
      %dma_start3A_374 = arith.constant 0 : i32
      %dma_start3A_375 = tpu.memref_slice %arg10[%dma_start3A_373, %dma_start3A_374] : memref<64x128xf32, #tpu.memory_space<vmem>> -> memref<8x128xf32, #tpu.memory_space<vmem>>
      %dma_start3A_376 = arith.constant 0 : i32
      %dma_start3A_377 = arith.constant 0 : i32
      %dma_start3A_378 = tpu.memref_slice %arg5[%add3A_280, %dma_start3A_372, %add3A, %dma_start3A_376, %dma_start3A_377] : memref<200x8x32x8x128xf32, #tpu.memory_space<hbm>> -> memref<1x1x1x8x128xf32, #tpu.memory_space<hbm>>
      %dma_start3A_379 = tpu.memref_squeeze %dma_start3A_378 : memref<1x1x1x8x128xf32, #tpu.memory_space<hbm>> -> memref<8x128xf32, #tpu.memory_space<hbm>>
      %dma_start3A_380 = arith.constant 0 : i32
      %dma_start3A_381 = arith.constant 0 : i32
      %dma_start3A_382 = tpu.memref_slice %arg5[%add3A_280, %dma_start3A_372, %add3A, %dma_start3A_380, %dma_start3A_381] : memref<200x8x32x8x128xf32, #tpu.memory_space<hbm>> -> memref<1x1x1x8x128xf32, #tpu.memory_space<hbm>>
      %dma_start3A_383 = tpu.memref_squeeze %dma_start3A_382 : memref<1x1x1x8x128xf32, #tpu.memory_space<hbm>> -> memref<8x128xf32, #tpu.memory_space<hbm>>
      %dma_start3A_384 = arith.constant 40 : i32
      %dma_start3A_385 = arith.constant 0 : i32
      %dma_start3A_386 = tpu.memref_slice %arg10[%dma_start3A_384, %dma_start3A_385] : memref<64x128xf32, #tpu.memory_space<vmem>> -> memref<8x128xf32, #tpu.memory_space<vmem>>
      tpu.enqueue_dma source(%dma_start3A_386 : memref<8x128xf32, #tpu.memory_space<vmem>>) target(%dma_start3A_383 : memref<8x128xf32, #tpu.memory_space<hbm>>) target_semaphore(%arg14 : memref<!tpu.dma_semaphore, #tpu.memory_space<semaphore_mem>>)
      %dma_start3A_387 = arith.constant 6 : i32
      %dma_start3A_388 = arith.constant 48 : i32
      %dma_start3A_389 = arith.constant 0 : i32
      %dma_start3A_390 = tpu.memref_slice %arg10[%dma_start3A_388, %dma_start3A_389] : memref<64x128xf32, #tpu.memory_space<vmem>> -> memref<8x128xf32, #tpu.memory_space<vmem>>
      %dma_start3A_391 = arith.constant 0 : i32
      %dma_start3A_392 = arith.constant 0 : i32
      %dma_start3A_393 = tpu.memref_slice %arg5[%add3A_280, %dma_start3A_387, %add3A, %dma_start3A_391, %dma_start3A_392] : memref<200x8x32x8x128xf32, #tpu.memory_space<hbm>> -> memref<1x1x1x8x128xf32, #tpu.memory_space<hbm>>
      %dma_start3A_394 = tpu.memref_squeeze %dma_start3A_393 : memref<1x1x1x8x128xf32, #tpu.memory_space<hbm>> -> memref<8x128xf32, #tpu.memory_space<hbm>>
      %dma_start3A_395 = arith.constant 0 : i32
      %dma_start3A_396 = arith.constant 0 : i32
      %dma_start3A_397 = tpu.memref_slice %arg5[%add3A_280, %dma_start3A_387, %add3A, %dma_start3A_395, %dma_start3A_396] : memref<200x8x32x8x128xf32, #tpu.memory_space<hbm>> -> memref<1x1x1x8x128xf32, #tpu.memory_space<hbm>>
      %dma_start3A_398 = tpu.memref_squeeze %dma_start3A_397 : memref<1x1x1x8x128xf32, #tpu.memory_space<hbm>> -> memref<8x128xf32, #tpu.memory_space<hbm>>
      %dma_start3A_399 = arith.constant 48 : i32
      %dma_start3A_400 = arith.constant 0 : i32
      %dma_start3A_401 = tpu.memref_slice %arg10[%dma_start3A_399, %dma_start3A_400] : memref<64x128xf32, #tpu.memory_space<vmem>> -> memref<8x128xf32, #tpu.memory_space<vmem>>
      tpu.enqueue_dma source(%dma_start3A_401 : memref<8x128xf32, #tpu.memory_space<vmem>>) target(%dma_start3A_398 : memref<8x128xf32, #tpu.memory_space<hbm>>) target_semaphore(%arg14 : memref<!tpu.dma_semaphore, #tpu.memory_space<semaphore_mem>>)
      %dma_start3A_402 = arith.constant 7 : i32
      %dma_start3A_403 = arith.constant 56 : i32
      %dma_start3A_404 = arith.constant 0 : i32
      %dma_start3A_405 = tpu.memref_slice %arg10[%dma_start3A_403, %dma_start3A_404] : memref<64x128xf32, #tpu.memory_space<vmem>> -> memref<8x128xf32, #tpu.memory_space<vmem>>
      %dma_start3A_406 = arith.constant 0 : i32
      %dma_start3A_407 = arith.constant 0 : i32
      %dma_start3A_408 = tpu.memref_slice %arg5[%add3A_280, %dma_start3A_402, %add3A, %dma_start3A_406, %dma_start3A_407] : memref<200x8x32x8x128xf32, #tpu.memory_space<hbm>> -> memref<1x1x1x8x128xf32, #tpu.memory_space<hbm>>
      %dma_start3A_409 = tpu.memref_squeeze %dma_start3A_408 : memref<1x1x1x8x128xf32, #tpu.memory_space<hbm>> -> memref<8x128xf32, #tpu.memory_space<hbm>>
      %dma_start3A_410 = arith.constant 0 : i32
      %dma_start3A_411 = arith.constant 0 : i32
      %dma_start3A_412 = tpu.memref_slice %arg5[%add3A_280, %dma_start3A_402, %add3A, %dma_start3A_410, %dma_start3A_411] : memref<200x8x32x8x128xf32, #tpu.memory_space<hbm>> -> memref<1x1x1x8x128xf32, #tpu.memory_space<hbm>>
      %dma_start3A_413 = tpu.memref_squeeze %dma_start3A_412 : memref<1x1x1x8x128xf32, #tpu.memory_space<hbm>> -> memref<8x128xf32, #tpu.memory_space<hbm>>
      %dma_start3A_414 = arith.constant 56 : i32
      %dma_start3A_415 = arith.constant 0 : i32
      %dma_start3A_416 = tpu.memref_slice %arg10[%dma_start3A_414, %dma_start3A_415] : memref<64x128xf32, #tpu.memory_space<vmem>> -> memref<8x128xf32, #tpu.memory_space<vmem>>
      tpu.enqueue_dma source(%dma_start3A_416 : memref<8x128xf32, #tpu.memory_space<vmem>>) target(%dma_start3A_413 : memref<8x128xf32, #tpu.memory_space<hbm>>) target_semaphore(%arg14 : memref<!tpu.dma_semaphore, #tpu.memory_space<semaphore_mem>>)
      %mul3A_417 = arith.constant 2 : i32
      %mul3A_418 = arith.muli %mul3A_417, %scan3A_276 : i32
      %add3A_419 = arith.constant 1 : i32
      %add3A_420 = arith.addi %mul3A_418, %add3A_419 : i32
      %dma_wait3A_421 = arith.constant 0 : i32
      %dma_wait3A_422 = tpu.memref_slice %arg6[%add3A_420, %dma_wait3A_421] : memref<200x128xi32, #tpu.memory_space<vmem>> -> memref<1x128xi32, #tpu.memory_space<vmem>>
      %dma_wait3A_423 = tpu.memref_squeeze %dma_wait3A_422 : memref<1x128xi32, #tpu.memory_space<vmem>> -> memref<128xi32, #tpu.memory_space<vmem>>
      %dma_wait3A_424 = arith.constant 0 : i32
      %dma_wait3A_425 = arith.constant 0 : i32
      %dma_wait3A_426 = tpu.memref_slice %arg3[%dma_wait3A_424, %dma_wait3A_425] : memref<1000000x64xf32, #tpu.memory_space<hbm>> -> memref<1000000x64xf32, #tpu.memory_space<hbm>>
      tpu.wait_indirect_dma semaphore(%arg13 : memref<!tpu.dma_semaphore, #tpu.memory_space<semaphore_mem>>) src(%dma_wait3A_426 : memref<1000000x64xf32, #tpu.memory_space<hbm>>) dst(%arg9 : memref<128x64xf32, #tpu.memory_space<vmem>>)
      %ge3A_427 = arith.constant 2 : i32
      %ge3A_428 = arith.cmpi sge, %add3A_420, %ge3A_427 : i32
      %convert_element_type3A_429 = arith.extui %ge3A_428 : i1 to i32
      %cond3A_430 = arith.constant 0 : i32
      %cond3A_431 = arith.cmpi ne, %convert_element_type3A_429, %cond3A_430 : i32
      scf.if %cond3A_431 {
        %sub3A = arith.constant 2 : i32
        %sub3A_562 = arith.subi %add3A_420, %sub3A : i32
        %dma_wait3A_563 = arith.constant 0 : i32
        %dma_wait3A_564 = arith.constant 0 : i32
        %dma_wait3A_565 = arith.constant 0 : i32
        %dma_wait3A_566 = tpu.memref_slice %arg11[%dma_wait3A_564, %dma_wait3A_565] : memref<64x128xf32, #tpu.memory_space<vmem>> -> memref<8x128xf32, #tpu.memory_space<vmem>>
        %dma_wait3A_567 = arith.constant 0 : i32
        %dma_wait3A_568 = arith.constant 0 : i32
        %dma_wait3A_569 = tpu.memref_slice %arg5[%sub3A_562, %dma_wait3A_563, %add3A, %dma_wait3A_567, %dma_wait3A_568] : memref<200x8x32x8x128xf32, #tpu.memory_space<hbm>> -> memref<1x1x1x8x128xf32, #tpu.memory_space<hbm>>
        %dma_wait3A_570 = tpu.memref_squeeze %dma_wait3A_569 : memref<1x1x1x8x128xf32, #tpu.memory_space<hbm>> -> memref<8x128xf32, #tpu.memory_space<hbm>>
        %dma_wait3A_571 = arith.constant 0 : i32
        %dma_wait3A_572 = arith.constant 0 : i32
        %dma_wait3A_573 = tpu.memref_slice %arg5[%sub3A_562, %dma_wait3A_563, %add3A, %dma_wait3A_571, %dma_wait3A_572] : memref<200x8x32x8x128xf32, #tpu.memory_space<hbm>> -> memref<1x1x1x8x128xf32, #tpu.memory_space<hbm>>
        %dma_wait3A_574 = tpu.memref_squeeze %dma_wait3A_573 : memref<1x1x1x8x128xf32, #tpu.memory_space<hbm>> -> memref<8x128xf32, #tpu.memory_space<hbm>>
        %dma_wait3A_575 = arith.constant 0 : i32
        %dma_wait3A_576 = arith.constant 0 : i32
        %dma_wait3A_577 = tpu.memref_slice %arg11[%dma_wait3A_575, %dma_wait3A_576] : memref<64x128xf32, #tpu.memory_space<vmem>> -> memref<8x128xf32, #tpu.memory_space<vmem>>
        tpu.wait_dma2 semaphore(%arg15 : memref<!tpu.dma_semaphore, #tpu.memory_space<semaphore_mem>>) src(%dma_wait3A_577 : memref<8x128xf32, #tpu.memory_space<vmem>>) dst(%dma_wait3A_574 : memref<8x128xf32, #tpu.memory_space<hbm>>)
        %dma_wait3A_578 = arith.constant 1 : i32
        %dma_wait3A_579 = arith.constant 8 : i32
        %dma_wait3A_580 = arith.constant 0 : i32
        %dma_wait3A_581 = tpu.memref_slice %arg11[%dma_wait3A_579, %dma_wait3A_580] : memref<64x128xf32, #tpu.memory_space<vmem>> -> memref<8x128xf32, #tpu.memory_space<vmem>>
        %dma_wait3A_582 = arith.constant 0 : i32
        %dma_wait3A_583 = arith.constant 0 : i32
        %dma_wait3A_584 = tpu.memref_slice %arg5[%sub3A_562, %dma_wait3A_578, %add3A, %dma_wait3A_582, %dma_wait3A_583] : memref<200x8x32x8x128xf32, #tpu.memory_space<hbm>> -> memref<1x1x1x8x128xf32, #tpu.memory_space<hbm>>
        %dma_wait3A_585 = tpu.memref_squeeze %dma_wait3A_584 : memref<1x1x1x8x128xf32, #tpu.memory_space<hbm>> -> memref<8x128xf32, #tpu.memory_space<hbm>>
        %dma_wait3A_586 = arith.constant 0 : i32
        %dma_wait3A_587 = arith.constant 0 : i32
        %dma_wait3A_588 = tpu.memref_slice %arg5[%sub3A_562, %dma_wait3A_578, %add3A, %dma_wait3A_586, %dma_wait3A_587] : memref<200x8x32x8x128xf32, #tpu.memory_space<hbm>> -> memref<1x1x1x8x128xf32, #tpu.memory_space<hbm>>
        %dma_wait3A_589 = tpu.memref_squeeze %dma_wait3A_588 : memref<1x1x1x8x128xf32, #tpu.memory_space<hbm>> -> memref<8x128xf32, #tpu.memory_space<hbm>>
        %dma_wait3A_590 = arith.constant 8 : i32
        %dma_wait3A_591 = arith.constant 0 : i32
        %dma_wait3A_592 = tpu.memref_slice %arg11[%dma_wait3A_590, %dma_wait3A_591] : memref<64x128xf32, #tpu.memory_space<vmem>> -> memref<8x128xf32, #tpu.memory_space<vmem>>
        tpu.wait_dma2 semaphore(%arg15 : memref<!tpu.dma_semaphore, #tpu.memory_space<semaphore_mem>>) src(%dma_wait3A_592 : memref<8x128xf32, #tpu.memory_space<vmem>>) dst(%dma_wait3A_589 : memref<8x128xf32, #tpu.memory_space<hbm>>)
        %dma_wait3A_593 = arith.constant 2 : i32
        %dma_wait3A_594 = arith.constant 16 : i32
        %dma_wait3A_595 = arith.constant 0 : i32
        %dma_wait3A_596 = tpu.memref_slice %arg11[%dma_wait3A_594, %dma_wait3A_595] : memref<64x128xf32, #tpu.memory_space<vmem>> -> memref<8x128xf32, #tpu.memory_space<vmem>>
        %dma_wait3A_597 = arith.constant 0 : i32
        %dma_wait3A_598 = arith.constant 0 : i32
        %dma_wait3A_599 = tpu.memref_slice %arg5[%sub3A_562, %dma_wait3A_593, %add3A, %dma_wait3A_597, %dma_wait3A_598] : memref<200x8x32x8x128xf32, #tpu.memory_space<hbm>> -> memref<1x1x1x8x128xf32, #tpu.memory_space<hbm>>
        %dma_wait3A_600 = tpu.memref_squeeze %dma_wait3A_599 : memref<1x1x1x8x128xf32, #tpu.memory_space<hbm>> -> memref<8x128xf32, #tpu.memory_space<hbm>>
        %dma_wait3A_601 = arith.constant 0 : i32
        %dma_wait3A_602 = arith.constant 0 : i32
        %dma_wait3A_603 = tpu.memref_slice %arg5[%sub3A_562, %dma_wait3A_593, %add3A, %dma_wait3A_601, %dma_wait3A_602] : memref<200x8x32x8x128xf32, #tpu.memory_space<hbm>> -> memref<1x1x1x8x128xf32, #tpu.memory_space<hbm>>
        %dma_wait3A_604 = tpu.memref_squeeze %dma_wait3A_603 : memref<1x1x1x8x128xf32, #tpu.memory_space<hbm>> -> memref<8x128xf32, #tpu.memory_space<hbm>>
        %dma_wait3A_605 = arith.constant 16 : i32
        %dma_wait3A_606 = arith.constant 0 : i32
        %dma_wait3A_607 = tpu.memref_slice %arg11[%dma_wait3A_605, %dma_wait3A_606] : memref<64x128xf32, #tpu.memory_space<vmem>> -> memref<8x128xf32, #tpu.memory_space<vmem>>
        tpu.wait_dma2 semaphore(%arg15 : memref<!tpu.dma_semaphore, #tpu.memory_space<semaphore_mem>>) src(%dma_wait3A_607 : memref<8x128xf32, #tpu.memory_space<vmem>>) dst(%dma_wait3A_604 : memref<8x128xf32, #tpu.memory_space<hbm>>)
        %dma_wait3A_608 = arith.constant 3 : i32
        %dma_wait3A_609 = arith.constant 24 : i32
        %dma_wait3A_610 = arith.constant 0 : i32
        %dma_wait3A_611 = tpu.memref_slice %arg11[%dma_wait3A_609, %dma_wait3A_610] : memref<64x128xf32, #tpu.memory_space<vmem>> -> memref<8x128xf32, #tpu.memory_space<vmem>>
        %dma_wait3A_612 = arith.constant 0 : i32
        %dma_wait3A_613 = arith.constant 0 : i32
        %dma_wait3A_614 = tpu.memref_slice %arg5[%sub3A_562, %dma_wait3A_608, %add3A, %dma_wait3A_612, %dma_wait3A_613] : memref<200x8x32x8x128xf32, #tpu.memory_space<hbm>> -> memref<1x1x1x8x128xf32, #tpu.memory_space<hbm>>
        %dma_wait3A_615 = tpu.memref_squeeze %dma_wait3A_614 : memref<1x1x1x8x128xf32, #tpu.memory_space<hbm>> -> memref<8x128xf32, #tpu.memory_space<hbm>>
        %dma_wait3A_616 = arith.constant 0 : i32
        %dma_wait3A_617 = arith.constant 0 : i32
        %dma_wait3A_618 = tpu.memref_slice %arg5[%sub3A_562, %dma_wait3A_608, %add3A, %dma_wait3A_616, %dma_wait3A_617] : memref<200x8x32x8x128xf32, #tpu.memory_space<hbm>> -> memref<1x1x1x8x128xf32, #tpu.memory_space<hbm>>
        %dma_wait3A_619 = tpu.memref_squeeze %dma_wait3A_618 : memref<1x1x1x8x128xf32, #tpu.memory_space<hbm>> -> memref<8x128xf32, #tpu.memory_space<hbm>>
        %dma_wait3A_620 = arith.constant 24 : i32
        %dma_wait3A_621 = arith.constant 0 : i32
        %dma_wait3A_622 = tpu.memref_slice %arg11[%dma_wait3A_620, %dma_wait3A_621] : memref<64x128xf32, #tpu.memory_space<vmem>> -> memref<8x128xf32, #tpu.memory_space<vmem>>
        tpu.wait_dma2 semaphore(%arg15 : memref<!tpu.dma_semaphore, #tpu.memory_space<semaphore_mem>>) src(%dma_wait3A_622 : memref<8x128xf32, #tpu.memory_space<vmem>>) dst(%dma_wait3A_619 : memref<8x128xf32, #tpu.memory_space<hbm>>)
        %dma_wait3A_623 = arith.constant 4 : i32
        %dma_wait3A_624 = arith.constant 32 : i32
        %dma_wait3A_625 = arith.constant 0 : i32
        %dma_wait3A_626 = tpu.memref_slice %arg11[%dma_wait3A_624, %dma_wait3A_625] : memref<64x128xf32, #tpu.memory_space<vmem>> -> memref<8x128xf32, #tpu.memory_space<vmem>>
        %dma_wait3A_627 = arith.constant 0 : i32
        %dma_wait3A_628 = arith.constant 0 : i32
        %dma_wait3A_629 = tpu.memref_slice %arg5[%sub3A_562, %dma_wait3A_623, %add3A, %dma_wait3A_627, %dma_wait3A_628] : memref<200x8x32x8x128xf32, #tpu.memory_space<hbm>> -> memref<1x1x1x8x128xf32, #tpu.memory_space<hbm>>
        %dma_wait3A_630 = tpu.memref_squeeze %dma_wait3A_629 : memref<1x1x1x8x128xf32, #tpu.memory_space<hbm>> -> memref<8x128xf32, #tpu.memory_space<hbm>>
        %dma_wait3A_631 = arith.constant 0 : i32
        %dma_wait3A_632 = arith.constant 0 : i32
        %dma_wait3A_633 = tpu.memref_slice %arg5[%sub3A_562, %dma_wait3A_623, %add3A, %dma_wait3A_631, %dma_wait3A_632] : memref<200x8x32x8x128xf32, #tpu.memory_space<hbm>> -> memref<1x1x1x8x128xf32, #tpu.memory_space<hbm>>
        %dma_wait3A_634 = tpu.memref_squeeze %dma_wait3A_633 : memref<1x1x1x8x128xf32, #tpu.memory_space<hbm>> -> memref<8x128xf32, #tpu.memory_space<hbm>>
        %dma_wait3A_635 = arith.constant 32 : i32
        %dma_wait3A_636 = arith.constant 0 : i32
        %dma_wait3A_637 = tpu.memref_slice %arg11[%dma_wait3A_635, %dma_wait3A_636] : memref<64x128xf32, #tpu.memory_space<vmem>> -> memref<8x128xf32, #tpu.memory_space<vmem>>
        tpu.wait_dma2 semaphore(%arg15 : memref<!tpu.dma_semaphore, #tpu.memory_space<semaphore_mem>>) src(%dma_wait3A_637 : memref<8x128xf32, #tpu.memory_space<vmem>>) dst(%dma_wait3A_634 : memref<8x128xf32, #tpu.memory_space<hbm>>)
        %dma_wait3A_638 = arith.constant 5 : i32
        %dma_wait3A_639 = arith.constant 40 : i32
        %dma_wait3A_640 = arith.constant 0 : i32
        %dma_wait3A_641 = tpu.memref_slice %arg11[%dma_wait3A_639, %dma_wait3A_640] : memref<64x128xf32, #tpu.memory_space<vmem>> -> memref<8x128xf32, #tpu.memory_space<vmem>>
        %dma_wait3A_642 = arith.constant 0 : i32
        %dma_wait3A_643 = arith.constant 0 : i32
        %dma_wait3A_644 = tpu.memref_slice %arg5[%sub3A_562, %dma_wait3A_638, %add3A, %dma_wait3A_642, %dma_wait3A_643] : memref<200x8x32x8x128xf32, #tpu.memory_space<hbm>> -> memref<1x1x1x8x128xf32, #tpu.memory_space<hbm>>
        %dma_wait3A_645 = tpu.memref_squeeze %dma_wait3A_644 : memref<1x1x1x8x128xf32, #tpu.memory_space<hbm>> -> memref<8x128xf32, #tpu.memory_space<hbm>>
        %dma_wait3A_646 = arith.constant 0 : i32
        %dma_wait3A_647 = arith.constant 0 : i32
        %dma_wait3A_648 = tpu.memref_slice %arg5[%sub3A_562, %dma_wait3A_638, %add3A, %dma_wait3A_646, %dma_wait3A_647] : memref<200x8x32x8x128xf32, #tpu.memory_space<hbm>> -> memref<1x1x1x8x128xf32, #tpu.memory_space<hbm>>
        %dma_wait3A_649 = tpu.memref_squeeze %dma_wait3A_648 : memref<1x1x1x8x128xf32, #tpu.memory_space<hbm>> -> memref<8x128xf32, #tpu.memory_space<hbm>>
        %dma_wait3A_650 = arith.constant 40 : i32
        %dma_wait3A_651 = arith.constant 0 : i32
        %dma_wait3A_652 = tpu.memref_slice %arg11[%dma_wait3A_650, %dma_wait3A_651] : memref<64x128xf32, #tpu.memory_space<vmem>> -> memref<8x128xf32, #tpu.memory_space<vmem>>
        tpu.wait_dma2 semaphore(%arg15 : memref<!tpu.dma_semaphore, #tpu.memory_space<semaphore_mem>>) src(%dma_wait3A_652 : memref<8x128xf32, #tpu.memory_space<vmem>>) dst(%dma_wait3A_649 : memref<8x128xf32, #tpu.memory_space<hbm>>)
        %dma_wait3A_653 = arith.constant 6 : i32
        %dma_wait3A_654 = arith.constant 48 : i32
        %dma_wait3A_655 = arith.constant 0 : i32
        %dma_wait3A_656 = tpu.memref_slice %arg11[%dma_wait3A_654, %dma_wait3A_655] : memref<64x128xf32, #tpu.memory_space<vmem>> -> memref<8x128xf32, #tpu.memory_space<vmem>>
        %dma_wait3A_657 = arith.constant 0 : i32
        %dma_wait3A_658 = arith.constant 0 : i32
        %dma_wait3A_659 = tpu.memref_slice %arg5[%sub3A_562, %dma_wait3A_653, %add3A, %dma_wait3A_657, %dma_wait3A_658] : memref<200x8x32x8x128xf32, #tpu.memory_space<hbm>> -> memref<1x1x1x8x128xf32, #tpu.memory_space<hbm>>
        %dma_wait3A_660 = tpu.memref_squeeze %dma_wait3A_659 : memref<1x1x1x8x128xf32, #tpu.memory_space<hbm>> -> memref<8x128xf32, #tpu.memory_space<hbm>>
        %dma_wait3A_661 = arith.constant 0 : i32
        %dma_wait3A_662 = arith.constant 0 : i32
        %dma_wait3A_663 = tpu.memref_slice %arg5[%sub3A_562, %dma_wait3A_653, %add3A, %dma_wait3A_661, %dma_wait3A_662] : memref<200x8x32x8x128xf32, #tpu.memory_space<hbm>> -> memref<1x1x1x8x128xf32, #tpu.memory_space<hbm>>
        %dma_wait3A_664 = tpu.memref_squeeze %dma_wait3A_663 : memref<1x1x1x8x128xf32, #tpu.memory_space<hbm>> -> memref<8x128xf32, #tpu.memory_space<hbm>>
        %dma_wait3A_665 = arith.constant 48 : i32
        %dma_wait3A_666 = arith.constant 0 : i32
        %dma_wait3A_667 = tpu.memref_slice %arg11[%dma_wait3A_665, %dma_wait3A_666] : memref<64x128xf32, #tpu.memory_space<vmem>> -> memref<8x128xf32, #tpu.memory_space<vmem>>
        tpu.wait_dma2 semaphore(%arg15 : memref<!tpu.dma_semaphore, #tpu.memory_space<semaphore_mem>>) src(%dma_wait3A_667 : memref<8x128xf32, #tpu.memory_space<vmem>>) dst(%dma_wait3A_664 : memref<8x128xf32, #tpu.memory_space<hbm>>)
        %dma_wait3A_668 = arith.constant 7 : i32
        %dma_wait3A_669 = arith.constant 56 : i32
        %dma_wait3A_670 = arith.constant 0 : i32
        %dma_wait3A_671 = tpu.memref_slice %arg11[%dma_wait3A_669, %dma_wait3A_670] : memref<64x128xf32, #tpu.memory_space<vmem>> -> memref<8x128xf32, #tpu.memory_space<vmem>>
        %dma_wait3A_672 = arith.constant 0 : i32
        %dma_wait3A_673 = arith.constant 0 : i32
        %dma_wait3A_674 = tpu.memref_slice %arg5[%sub3A_562, %dma_wait3A_668, %add3A, %dma_wait3A_672, %dma_wait3A_673] : memref<200x8x32x8x128xf32, #tpu.memory_space<hbm>> -> memref<1x1x1x8x128xf32, #tpu.memory_space<hbm>>
        %dma_wait3A_675 = tpu.memref_squeeze %dma_wait3A_674 : memref<1x1x1x8x128xf32, #tpu.memory_space<hbm>> -> memref<8x128xf32, #tpu.memory_space<hbm>>
        %dma_wait3A_676 = arith.constant 0 : i32
        %dma_wait3A_677 = arith.constant 0 : i32
        %dma_wait3A_678 = tpu.memref_slice %arg5[%sub3A_562, %dma_wait3A_668, %add3A, %dma_wait3A_676, %dma_wait3A_677] : memref<200x8x32x8x128xf32, #tpu.memory_space<hbm>> -> memref<1x1x1x8x128xf32, #tpu.memory_space<hbm>>
        %dma_wait3A_679 = tpu.memref_squeeze %dma_wait3A_678 : memref<1x1x1x8x128xf32, #tpu.memory_space<hbm>> -> memref<8x128xf32, #tpu.memory_space<hbm>>
        %dma_wait3A_680 = arith.constant 56 : i32
        %dma_wait3A_681 = arith.constant 0 : i32
        %dma_wait3A_682 = tpu.memref_slice %arg11[%dma_wait3A_680, %dma_wait3A_681] : memref<64x128xf32, #tpu.memory_space<vmem>> -> memref<8x128xf32, #tpu.memory_space<vmem>>
        tpu.wait_dma2 semaphore(%arg15 : memref<!tpu.dma_semaphore, #tpu.memory_space<semaphore_mem>>) src(%dma_wait3A_682 : memref<8x128xf32, #tpu.memory_space<vmem>>) dst(%dma_wait3A_679 : memref<8x128xf32, #tpu.memory_space<hbm>>)
      } else {
      }
      %parallel_loop3A_432 = arith.constant 0 : i32
      %parallel_loop3A_433 = arith.constant 64 : i32
      %parallel_loop3A_434 = arith.constant 1 : i32
      scf.for %parallel_loop3A_562 = %parallel_loop3A_432 to %parallel_loop3A_433 step %parallel_loop3A_434  : i32 {
        %parallel_loop3A_563 = tpu.iota {dimensions = array<i32: 0>} : vector<16xi32>
        %parallel_loop3A_564 = vector.broadcast %parallel_loop3A_562 : i32 to vector<16xi32>
        %parallel_loop3A_565 = arith.addi %parallel_loop3A_563, %parallel_loop3A_564 : vector<16xi32>
        %parallel_loop3A_566 = arith.constant 63 : i32
        %parallel_loop3A_567 = vector.broadcast %parallel_loop3A_566 : i32 to vector<16xi32>
        %parallel_loop3A_568 = arith.andi %parallel_loop3A_565, %parallel_loop3A_567 : vector<16xi32>
        %parallel_loop3A_569 = vector.broadcast %add3A_420 : i32 to vector<16xi32>
        %parallel_loop3A_570 = tpu.vector_load_idx %arg7[%parallel_loop3A_569, %parallel_loop3A_568] : memref<200x64xf32, #tpu.memory_space<vmem>>[vector<16xi32>, vector<16xi32>], vector<16xf32>,
        %parallel_loop3A_571 = tpu.iota {dimensions = array<i32: 0>} : vector<16xi32>
        %parallel_loop3A_572 = arith.constant 0 : i32
        %parallel_loop3A_573 = vector.broadcast %parallel_loop3A_572 : i32 to vector<16xi32>
        %parallel_loop3A_574 = arith.addi %parallel_loop3A_571, %parallel_loop3A_573 : vector<16xi32>
        %parallel_loop3A_575 = tpu.vector_load_idx %arg9[%parallel_loop3A_574, %parallel_loop3A_568] : memref<128x64xf32, #tpu.memory_space<vmem>>[vector<16xi32>, vector<16xi32>], vector<16xf32>,
        %parallel_loop3A_576 = arith.addf %parallel_loop3A_575, %parallel_loop3A_570 : vector<16xf32>
        tpu.vector_store_idx %arg11[%parallel_loop3A_568, %parallel_loop3A_574], %parallel_loop3A_576 : memref<64x128xf32, #tpu.memory_space<vmem>>[vector<16xi32>, vector<16xi32>], vector<16xf32>,
        %parallel_loop3A_577 = tpu.iota {dimensions = array<i32: 0>} : vector<16xi32>
        %parallel_loop3A_578 = arith.constant 16 : i32
        %parallel_loop3A_579 = vector.broadcast %parallel_loop3A_578 : i32 to vector<16xi32>
        %parallel_loop3A_580 = arith.addi %parallel_loop3A_577, %parallel_loop3A_579 : vector<16xi32>
        %parallel_loop3A_581 = tpu.vector_load_idx %arg9[%parallel_loop3A_580, %parallel_loop3A_568] : memref<128x64xf32, #tpu.memory_space<vmem>>[vector<16xi32>, vector<16xi32>], vector<16xf32>,
        %parallel_loop3A_582 = arith.addf %parallel_loop3A_581, %parallel_loop3A_570 : vector<16xf32>
        tpu.vector_store_idx %arg11[%parallel_loop3A_568, %parallel_loop3A_580], %parallel_loop3A_582 : memref<64x128xf32, #tpu.memory_space<vmem>>[vector<16xi32>, vector<16xi32>], vector<16xf32>,
        %parallel_loop3A_583 = tpu.iota {dimensions = array<i32: 0>} : vector<16xi32>
        %parallel_loop3A_584 = arith.constant 32 : i32
        %parallel_loop3A_585 = vector.broadcast %parallel_loop3A_584 : i32 to vector<16xi32>
        %parallel_loop3A_586 = arith.addi %parallel_loop3A_583, %parallel_loop3A_585 : vector<16xi32>
        %parallel_loop3A_587 = tpu.vector_load_idx %arg9[%parallel_loop3A_586, %parallel_loop3A_568] : memref<128x64xf32, #tpu.memory_space<vmem>>[vector<16xi32>, vector<16xi32>], vector<16xf32>,
        %parallel_loop3A_588 = arith.addf %parallel_loop3A_587, %parallel_loop3A_570 : vector<16xf32>
        tpu.vector_store_idx %arg11[%parallel_loop3A_568, %parallel_loop3A_586], %parallel_loop3A_588 : memref<64x128xf32, #tpu.memory_space<vmem>>[vector<16xi32>, vector<16xi32>], vector<16xf32>,
        %parallel_loop3A_589 = tpu.iota {dimensions = array<i32: 0>} : vector<16xi32>
        %parallel_loop3A_590 = arith.constant 48 : i32
        %parallel_loop3A_591 = vector.broadcast %parallel_loop3A_590 : i32 to vector<16xi32>
        %parallel_loop3A_592 = arith.addi %parallel_loop3A_589, %parallel_loop3A_591 : vector<16xi32>
        %parallel_loop3A_593 = tpu.vector_load_idx %arg9[%parallel_loop3A_592, %parallel_loop3A_568] : memref<128x64xf32, #tpu.memory_space<vmem>>[vector<16xi32>, vector<16xi32>], vector<16xf32>,
        %parallel_loop3A_594 = arith.addf %parallel_loop3A_593, %parallel_loop3A_570 : vector<16xf32>
        tpu.vector_store_idx %arg11[%parallel_loop3A_568, %parallel_loop3A_592], %parallel_loop3A_594 : memref<64x128xf32, #tpu.memory_space<vmem>>[vector<16xi32>, vector<16xi32>], vector<16xf32>,
        %parallel_loop3A_595 = tpu.iota {dimensions = array<i32: 0>} : vector<16xi32>
        %parallel_loop3A_596 = arith.constant 64 : i32
        %parallel_loop3A_597 = vector.broadcast %parallel_loop3A_596 : i32 to vector<16xi32>
        %parallel_loop3A_598 = arith.addi %parallel_loop3A_595, %parallel_loop3A_597 : vector<16xi32>
        %parallel_loop3A_599 = tpu.vector_load_idx %arg9[%parallel_loop3A_598, %parallel_loop3A_568] : memref<128x64xf32, #tpu.memory_space<vmem>>[vector<16xi32>, vector<16xi32>], vector<16xf32>,
        %parallel_loop3A_600 = arith.addf %parallel_loop3A_599, %parallel_loop3A_570 : vector<16xf32>
        tpu.vector_store_idx %arg11[%parallel_loop3A_568, %parallel_loop3A_598], %parallel_loop3A_600 : memref<64x128xf32, #tpu.memory_space<vmem>>[vector<16xi32>, vector<16xi32>], vector<16xf32>,
        %parallel_loop3A_601 = tpu.iota {dimensions = array<i32: 0>} : vector<16xi32>
        %parallel_loop3A_602 = arith.constant 80 : i32
        %parallel_loop3A_603 = vector.broadcast %parallel_loop3A_602 : i32 to vector<16xi32>
        %parallel_loop3A_604 = arith.addi %parallel_loop3A_601, %parallel_loop3A_603 : vector<16xi32>
        %parallel_loop3A_605 = tpu.vector_load_idx %arg9[%parallel_loop3A_604, %parallel_loop3A_568] : memref<128x64xf32, #tpu.memory_space<vmem>>[vector<16xi32>, vector<16xi32>], vector<16xf32>,
        %parallel_loop3A_606 = arith.addf %parallel_loop3A_605, %parallel_loop3A_570 : vector<16xf32>
        tpu.vector_store_idx %arg11[%parallel_loop3A_568, %parallel_loop3A_604], %parallel_loop3A_606 : memref<64x128xf32, #tpu.memory_space<vmem>>[vector<16xi32>, vector<16xi32>], vector<16xf32>,
        %parallel_loop3A_607 = tpu.iota {dimensions = array<i32: 0>} : vector<16xi32>
        %parallel_loop3A_608 = arith.constant 96 : i32
        %parallel_loop3A_609 = vector.broadcast %parallel_loop3A_608 : i32 to vector<16xi32>
        %parallel_loop3A_610 = arith.addi %parallel_loop3A_607, %parallel_loop3A_609 : vector<16xi32>
        %parallel_loop3A_611 = tpu.vector_load_idx %arg9[%parallel_loop3A_610, %parallel_loop3A_568] : memref<128x64xf32, #tpu.memory_space<vmem>>[vector<16xi32>, vector<16xi32>], vector<16xf32>,
        %parallel_loop3A_612 = arith.addf %parallel_loop3A_611, %parallel_loop3A_570 : vector<16xf32>
        tpu.vector_store_idx %arg11[%parallel_loop3A_568, %parallel_loop3A_610], %parallel_loop3A_612 : memref<64x128xf32, #tpu.memory_space<vmem>>[vector<16xi32>, vector<16xi32>], vector<16xf32>,
        %parallel_loop3A_613 = tpu.iota {dimensions = array<i32: 0>} : vector<16xi32>
        %parallel_loop3A_614 = arith.constant 112 : i32
        %parallel_loop3A_615 = vector.broadcast %parallel_loop3A_614 : i32 to vector<16xi32>
        %parallel_loop3A_616 = arith.addi %parallel_loop3A_613, %parallel_loop3A_615 : vector<16xi32>
        %parallel_loop3A_617 = tpu.vector_load_idx %arg9[%parallel_loop3A_616, %parallel_loop3A_568] : memref<128x64xf32, #tpu.memory_space<vmem>>[vector<16xi32>, vector<16xi32>], vector<16xf32>,
        %parallel_loop3A_618 = arith.addf %parallel_loop3A_617, %parallel_loop3A_570 : vector<16xf32>
        tpu.vector_store_idx %arg11[%parallel_loop3A_568, %parallel_loop3A_616], %parallel_loop3A_618 : memref<64x128xf32, #tpu.memory_space<vmem>>[vector<16xi32>, vector<16xi32>], vector<16xf32>,
      } {sc.loop_unroll_factor = 4 : i64, sc.parallel_access}
      %add3A_435 = arith.constant 2 : i32
      %add3A_436 = arith.addi %add3A_420, %add3A_435 : i32
      %lt3A_437 = arith.constant 200 : i32
      %lt3A_438 = arith.cmpi slt, %add3A_436, %lt3A_437 : i32
      %convert_element_type3A_439 = arith.extui %lt3A_438 : i1 to i32
      %cond3A_440 = arith.constant 0 : i32
      %cond3A_441 = arith.cmpi ne, %convert_element_type3A_439, %cond3A_440 : i32
      scf.if %cond3A_441 {
        %add3A_562 = arith.constant 2 : i32
        %add3A_563 = arith.addi %add3A_420, %add3A_562 : i32
        %dma_start3A_564 = arith.constant 0 : i32
        %dma_start3A_565 = tpu.memref_slice %arg6[%add3A_563, %dma_start3A_564] : memref<200x128xi32, #tpu.memory_space<vmem>> -> memref<1x128xi32, #tpu.memory_space<vmem>>
        %dma_start3A_566 = tpu.memref_squeeze %dma_start3A_565 : memref<1x128xi32, #tpu.memory_space<vmem>> -> memref<128xi32, #tpu.memory_space<vmem>>
        %dma_start3A_567 = arith.constant 0 : i32
        %dma_start3A_568 = arith.constant 0 : i32
        %dma_start3A_569 = tpu.memref_slice %arg3[%dma_start3A_567, %dma_start3A_568] : memref<1000000x64xf32, #tpu.memory_space<hbm>> -> memref<1000000x64xf32, #tpu.memory_space<hbm>>
        tpu.enqueue_indirect_dma source(%dma_start3A_569 : memref<1000000x64xf32, #tpu.memory_space<hbm>>) target(%arg9 : memref<128x64xf32, #tpu.memory_space<vmem>>) offsets(%dma_start3A_566 : memref<128xi32, #tpu.memory_space<vmem>>) semaphore(%arg13 : memref<!tpu.dma_semaphore, #tpu.memory_space<semaphore_mem>>)
      } else {
      }
      %dma_start3A_442 = arith.constant 0 : i32
      %dma_start3A_443 = arith.constant 0 : i32
      %dma_start3A_444 = arith.constant 0 : i32
      %dma_start3A_445 = tpu.memref_slice %arg11[%dma_start3A_443, %dma_start3A_444] : memref<64x128xf32, #tpu.memory_space<vmem>> -> memref<8x128xf32, #tpu.memory_space<vmem>>
      %dma_start3A_446 = arith.constant 0 : i32
      %dma_start3A_447 = arith.constant 0 : i32
      %dma_start3A_448 = tpu.memref_slice %arg5[%add3A_420, %dma_start3A_442, %add3A, %dma_start3A_446, %dma_start3A_447] : memref<200x8x32x8x128xf32, #tpu.memory_space<hbm>> -> memref<1x1x1x8x128xf32, #tpu.memory_space<hbm>>
      %dma_start3A_449 = tpu.memref_squeeze %dma_start3A_448 : memref<1x1x1x8x128xf32, #tpu.memory_space<hbm>> -> memref<8x128xf32, #tpu.memory_space<hbm>>
      %dma_start3A_450 = arith.constant 0 : i32
      %dma_start3A_451 = arith.constant 0 : i32
      %dma_start3A_452 = tpu.memref_slice %arg5[%add3A_420, %dma_start3A_442, %add3A, %dma_start3A_450, %dma_start3A_451] : memref<200x8x32x8x128xf32, #tpu.memory_space<hbm>> -> memref<1x1x1x8x128xf32, #tpu.memory_space<hbm>>
      %dma_start3A_453 = tpu.memref_squeeze %dma_start3A_452 : memref<1x1x1x8x128xf32, #tpu.memory_space<hbm>> -> memref<8x128xf32, #tpu.memory_space<hbm>>
      %dma_start3A_454 = arith.constant 0 : i32
      %dma_start3A_455 = arith.constant 0 : i32
      %dma_start3A_456 = tpu.memref_slice %arg11[%dma_start3A_454, %dma_start3A_455] : memref<64x128xf32, #tpu.memory_space<vmem>> -> memref<8x128xf32, #tpu.memory_space<vmem>>
      tpu.enqueue_dma source(%dma_start3A_456 : memref<8x128xf32, #tpu.memory_space<vmem>>) target(%dma_start3A_453 : memref<8x128xf32, #tpu.memory_space<hbm>>) target_semaphore(%arg15 : memref<!tpu.dma_semaphore, #tpu.memory_space<semaphore_mem>>)
      %dma_start3A_457 = arith.constant 1 : i32
      %dma_start3A_458 = arith.constant 8 : i32
      %dma_start3A_459 = arith.constant 0 : i32
      %dma_start3A_460 = tpu.memref_slice %arg11[%dma_start3A_458, %dma_start3A_459] : memref<64x128xf32, #tpu.memory_space<vmem>> -> memref<8x128xf32, #tpu.memory_space<vmem>>
      %dma_start3A_461 = arith.constant 0 : i32
      %dma_start3A_462 = arith.constant 0 : i32
      %dma_start3A_463 = tpu.memref_slice %arg5[%add3A_420, %dma_start3A_457, %add3A, %dma_start3A_461, %dma_start3A_462] : memref<200x8x32x8x128xf32, #tpu.memory_space<hbm>> -> memref<1x1x1x8x128xf32, #tpu.memory_space<hbm>>
      %dma_start3A_464 = tpu.memref_squeeze %dma_start3A_463 : memref<1x1x1x8x128xf32, #tpu.memory_space<hbm>> -> memref<8x128xf32, #tpu.memory_space<hbm>>
      %dma_start3A_465 = arith.constant 0 : i32
      %dma_start3A_466 = arith.constant 0 : i32
      %dma_start3A_467 = tpu.memref_slice %arg5[%add3A_420, %dma_start3A_457, %add3A, %dma_start3A_465, %dma_start3A_466] : memref<200x8x32x8x128xf32, #tpu.memory_space<hbm>> -> memref<1x1x1x8x128xf32, #tpu.memory_space<hbm>>
      %dma_start3A_468 = tpu.memref_squeeze %dma_start3A_467 : memref<1x1x1x8x128xf32, #tpu.memory_space<hbm>> -> memref<8x128xf32, #tpu.memory_space<hbm>>
      %dma_start3A_469 = arith.constant 8 : i32
      %dma_start3A_470 = arith.constant 0 : i32
      %dma_start3A_471 = tpu.memref_slice %arg11[%dma_start3A_469, %dma_start3A_470] : memref<64x128xf32, #tpu.memory_space<vmem>> -> memref<8x128xf32, #tpu.memory_space<vmem>>
      tpu.enqueue_dma source(%dma_start3A_471 : memref<8x128xf32, #tpu.memory_space<vmem>>) target(%dma_start3A_468 : memref<8x128xf32, #tpu.memory_space<hbm>>) target_semaphore(%arg15 : memref<!tpu.dma_semaphore, #tpu.memory_space<semaphore_mem>>)
      %dma_start3A_472 = arith.constant 2 : i32
      %dma_start3A_473 = arith.constant 16 : i32
      %dma_start3A_474 = arith.constant 0 : i32
      %dma_start3A_475 = tpu.memref_slice %arg11[%dma_start3A_473, %dma_start3A_474] : memref<64x128xf32, #tpu.memory_space<vmem>> -> memref<8x128xf32, #tpu.memory_space<vmem>>
      %dma_start3A_476 = arith.constant 0 : i32
      %dma_start3A_477 = arith.constant 0 : i32
      %dma_start3A_478 = tpu.memref_slice %arg5[%add3A_420, %dma_start3A_472, %add3A, %dma_start3A_476, %dma_start3A_477] : memref<200x8x32x8x128xf32, #tpu.memory_space<hbm>> -> memref<1x1x1x8x128xf32, #tpu.memory_space<hbm>>
      %dma_start3A_479 = tpu.memref_squeeze %dma_start3A_478 : memref<1x1x1x8x128xf32, #tpu.memory_space<hbm>> -> memref<8x128xf32, #tpu.memory_space<hbm>>
      %dma_start3A_480 = arith.constant 0 : i32
      %dma_start3A_481 = arith.constant 0 : i32
      %dma_start3A_482 = tpu.memref_slice %arg5[%add3A_420, %dma_start3A_472, %add3A, %dma_start3A_480, %dma_start3A_481] : memref<200x8x32x8x128xf32, #tpu.memory_space<hbm>> -> memref<1x1x1x8x128xf32, #tpu.memory_space<hbm>>
      %dma_start3A_483 = tpu.memref_squeeze %dma_start3A_482 : memref<1x1x1x8x128xf32, #tpu.memory_space<hbm>> -> memref<8x128xf32, #tpu.memory_space<hbm>>
      %dma_start3A_484 = arith.constant 16 : i32
      %dma_start3A_485 = arith.constant 0 : i32
      %dma_start3A_486 = tpu.memref_slice %arg11[%dma_start3A_484, %dma_start3A_485] : memref<64x128xf32, #tpu.memory_space<vmem>> -> memref<8x128xf32, #tpu.memory_space<vmem>>
      tpu.enqueue_dma source(%dma_start3A_486 : memref<8x128xf32, #tpu.memory_space<vmem>>) target(%dma_start3A_483 : memref<8x128xf32, #tpu.memory_space<hbm>>) target_semaphore(%arg15 : memref<!tpu.dma_semaphore, #tpu.memory_space<semaphore_mem>>)
      %dma_start3A_487 = arith.constant 3 : i32
      %dma_start3A_488 = arith.constant 24 : i32
      %dma_start3A_489 = arith.constant 0 : i32
      %dma_start3A_490 = tpu.memref_slice %arg11[%dma_start3A_488, %dma_start3A_489] : memref<64x128xf32, #tpu.memory_space<vmem>> -> memref<8x128xf32, #tpu.memory_space<vmem>>
      %dma_start3A_491 = arith.constant 0 : i32
      %dma_start3A_492 = arith.constant 0 : i32
      %dma_start3A_493 = tpu.memref_slice %arg5[%add3A_420, %dma_start3A_487, %add3A, %dma_start3A_491, %dma_start3A_492] : memref<200x8x32x8x128xf32, #tpu.memory_space<hbm>> -> memref<1x1x1x8x128xf32, #tpu.memory_space<hbm>>
      %dma_start3A_494 = tpu.memref_squeeze %dma_start3A_493 : memref<1x1x1x8x128xf32, #tpu.memory_space<hbm>> -> memref<8x128xf32, #tpu.memory_space<hbm>>
      %dma_start3A_495 = arith.constant 0 : i32
      %dma_start3A_496 = arith.constant 0 : i32
      %dma_start3A_497 = tpu.memref_slice %arg5[%add3A_420, %dma_start3A_487, %add3A, %dma_start3A_495, %dma_start3A_496] : memref<200x8x32x8x128xf32, #tpu.memory_space<hbm>> -> memref<1x1x1x8x128xf32, #tpu.memory_space<hbm>>
      %dma_start3A_498 = tpu.memref_squeeze %dma_start3A_497 : memref<1x1x1x8x128xf32, #tpu.memory_space<hbm>> -> memref<8x128xf32, #tpu.memory_space<hbm>>
      %dma_start3A_499 = arith.constant 24 : i32
      %dma_start3A_500 = arith.constant 0 : i32
      %dma_start3A_501 = tpu.memref_slice %arg11[%dma_start3A_499, %dma_start3A_500] : memref<64x128xf32, #tpu.memory_space<vmem>> -> memref<8x128xf32, #tpu.memory_space<vmem>>
      tpu.enqueue_dma source(%dma_start3A_501 : memref<8x128xf32, #tpu.memory_space<vmem>>) target(%dma_start3A_498 : memref<8x128xf32, #tpu.memory_space<hbm>>) target_semaphore(%arg15 : memref<!tpu.dma_semaphore, #tpu.memory_space<semaphore_mem>>)
      %dma_start3A_502 = arith.constant 4 : i32
      %dma_start3A_503 = arith.constant 32 : i32
      %dma_start3A_504 = arith.constant 0 : i32
      %dma_start3A_505 = tpu.memref_slice %arg11[%dma_start3A_503, %dma_start3A_504] : memref<64x128xf32, #tpu.memory_space<vmem>> -> memref<8x128xf32, #tpu.memory_space<vmem>>
      %dma_start3A_506 = arith.constant 0 : i32
      %dma_start3A_507 = arith.constant 0 : i32
      %dma_start3A_508 = tpu.memref_slice %arg5[%add3A_420, %dma_start3A_502, %add3A, %dma_start3A_506, %dma_start3A_507] : memref<200x8x32x8x128xf32, #tpu.memory_space<hbm>> -> memref<1x1x1x8x128xf32, #tpu.memory_space<hbm>>
      %dma_start3A_509 = tpu.memref_squeeze %dma_start3A_508 : memref<1x1x1x8x128xf32, #tpu.memory_space<hbm>> -> memref<8x128xf32, #tpu.memory_space<hbm>>
      %dma_start3A_510 = arith.constant 0 : i32
      %dma_start3A_511 = arith.constant 0 : i32
      %dma_start3A_512 = tpu.memref_slice %arg5[%add3A_420, %dma_start3A_502, %add3A, %dma_start3A_510, %dma_start3A_511] : memref<200x8x32x8x128xf32, #tpu.memory_space<hbm>> -> memref<1x1x1x8x128xf32, #tpu.memory_space<hbm>>
      %dma_start3A_513 = tpu.memref_squeeze %dma_start3A_512 : memref<1x1x1x8x128xf32, #tpu.memory_space<hbm>> -> memref<8x128xf32, #tpu.memory_space<hbm>>
      %dma_start3A_514 = arith.constant 32 : i32
      %dma_start3A_515 = arith.constant 0 : i32
      %dma_start3A_516 = tpu.memref_slice %arg11[%dma_start3A_514, %dma_start3A_515] : memref<64x128xf32, #tpu.memory_space<vmem>> -> memref<8x128xf32, #tpu.memory_space<vmem>>
      tpu.enqueue_dma source(%dma_start3A_516 : memref<8x128xf32, #tpu.memory_space<vmem>>) target(%dma_start3A_513 : memref<8x128xf32, #tpu.memory_space<hbm>>) target_semaphore(%arg15 : memref<!tpu.dma_semaphore, #tpu.memory_space<semaphore_mem>>)
      %dma_start3A_517 = arith.constant 5 : i32
      %dma_start3A_518 = arith.constant 40 : i32
      %dma_start3A_519 = arith.constant 0 : i32
      %dma_start3A_520 = tpu.memref_slice %arg11[%dma_start3A_518, %dma_start3A_519] : memref<64x128xf32, #tpu.memory_space<vmem>> -> memref<8x128xf32, #tpu.memory_space<vmem>>
      %dma_start3A_521 = arith.constant 0 : i32
      %dma_start3A_522 = arith.constant 0 : i32
      %dma_start3A_523 = tpu.memref_slice %arg5[%add3A_420, %dma_start3A_517, %add3A, %dma_start3A_521, %dma_start3A_522] : memref<200x8x32x8x128xf32, #tpu.memory_space<hbm>> -> memref<1x1x1x8x128xf32, #tpu.memory_space<hbm>>
      %dma_start3A_524 = tpu.memref_squeeze %dma_start3A_523 : memref<1x1x1x8x128xf32, #tpu.memory_space<hbm>> -> memref<8x128xf32, #tpu.memory_space<hbm>>
      %dma_start3A_525 = arith.constant 0 : i32
      %dma_start3A_526 = arith.constant 0 : i32
      %dma_start3A_527 = tpu.memref_slice %arg5[%add3A_420, %dma_start3A_517, %add3A, %dma_start3A_525, %dma_start3A_526] : memref<200x8x32x8x128xf32, #tpu.memory_space<hbm>> -> memref<1x1x1x8x128xf32, #tpu.memory_space<hbm>>
      %dma_start3A_528 = tpu.memref_squeeze %dma_start3A_527 : memref<1x1x1x8x128xf32, #tpu.memory_space<hbm>> -> memref<8x128xf32, #tpu.memory_space<hbm>>
      %dma_start3A_529 = arith.constant 40 : i32
      %dma_start3A_530 = arith.constant 0 : i32
      %dma_start3A_531 = tpu.memref_slice %arg11[%dma_start3A_529, %dma_start3A_530] : memref<64x128xf32, #tpu.memory_space<vmem>> -> memref<8x128xf32, #tpu.memory_space<vmem>>
      tpu.enqueue_dma source(%dma_start3A_531 : memref<8x128xf32, #tpu.memory_space<vmem>>) target(%dma_start3A_528 : memref<8x128xf32, #tpu.memory_space<hbm>>) target_semaphore(%arg15 : memref<!tpu.dma_semaphore, #tpu.memory_space<semaphore_mem>>)
      %dma_start3A_532 = arith.constant 6 : i32
      %dma_start3A_533 = arith.constant 48 : i32
      %dma_start3A_534 = arith.constant 0 : i32
      %dma_start3A_535 = tpu.memref_slice %arg11[%dma_start3A_533, %dma_start3A_534] : memref<64x128xf32, #tpu.memory_space<vmem>> -> memref<8x128xf32, #tpu.memory_space<vmem>>
      %dma_start3A_536 = arith.constant 0 : i32
      %dma_start3A_537 = arith.constant 0 : i32
      %dma_start3A_538 = tpu.memref_slice %arg5[%add3A_420, %dma_start3A_532, %add3A, %dma_start3A_536, %dma_start3A_537] : memref<200x8x32x8x128xf32, #tpu.memory_space<hbm>> -> memref<1x1x1x8x128xf32, #tpu.memory_space<hbm>>
      %dma_start3A_539 = tpu.memref_squeeze %dma_start3A_538 : memref<1x1x1x8x128xf32, #tpu.memory_space<hbm>> -> memref<8x128xf32, #tpu.memory_space<hbm>>
      %dma_start3A_540 = arith.constant 0 : i32
      %dma_start3A_541 = arith.constant 0 : i32
      %dma_start3A_542 = tpu.memref_slice %arg5[%add3A_420, %dma_start3A_532, %add3A, %dma_start3A_540, %dma_start3A_541] : memref<200x8x32x8x128xf32, #tpu.memory_space<hbm>> -> memref<1x1x1x8x128xf32, #tpu.memory_space<hbm>>
      %dma_start3A_543 = tpu.memref_squeeze %dma_start3A_542 : memref<1x1x1x8x128xf32, #tpu.memory_space<hbm>> -> memref<8x128xf32, #tpu.memory_space<hbm>>
      %dma_start3A_544 = arith.constant 48 : i32
      %dma_start3A_545 = arith.constant 0 : i32
      %dma_start3A_546 = tpu.memref_slice %arg11[%dma_start3A_544, %dma_start3A_545] : memref<64x128xf32, #tpu.memory_space<vmem>> -> memref<8x128xf32, #tpu.memory_space<vmem>>
      tpu.enqueue_dma source(%dma_start3A_546 : memref<8x128xf32, #tpu.memory_space<vmem>>) target(%dma_start3A_543 : memref<8x128xf32, #tpu.memory_space<hbm>>) target_semaphore(%arg15 : memref<!tpu.dma_semaphore, #tpu.memory_space<semaphore_mem>>)
      %dma_start3A_547 = arith.constant 7 : i32
      %dma_start3A_548 = arith.constant 56 : i32
      %dma_start3A_549 = arith.constant 0 : i32
      %dma_start3A_550 = tpu.memref_slice %arg11[%dma_start3A_548, %dma_start3A_549] : memref<64x128xf32, #tpu.memory_space<vmem>> -> memref<8x128xf32, #tpu.memory_space<vmem>>
      %dma_start3A_551 = arith.constant 0 : i32
      %dma_start3A_552 = arith.constant 0 : i32
      %dma_start3A_553 = tpu.memref_slice %arg5[%add3A_420, %dma_start3A_547, %add3A, %dma_start3A_551, %dma_start3A_552] : memref<200x8x32x8x128xf32, #tpu.memory_space<hbm>> -> memref<1x1x1x8x128xf32, #tpu.memory_space<hbm>>
      %dma_start3A_554 = tpu.memref_squeeze %dma_start3A_553 : memref<1x1x1x8x128xf32, #tpu.memory_space<hbm>> -> memref<8x128xf32, #tpu.memory_space<hbm>>
      %dma_start3A_555 = arith.constant 0 : i32
      %dma_start3A_556 = arith.constant 0 : i32
      %dma_start3A_557 = tpu.memref_slice %arg5[%add3A_420, %dma_start3A_547, %add3A, %dma_start3A_555, %dma_start3A_556] : memref<200x8x32x8x128xf32, #tpu.memory_space<hbm>> -> memref<1x1x1x8x128xf32, #tpu.memory_space<hbm>>
      %dma_start3A_558 = tpu.memref_squeeze %dma_start3A_557 : memref<1x1x1x8x128xf32, #tpu.memory_space<hbm>> -> memref<8x128xf32, #tpu.memory_space<hbm>>
      %dma_start3A_559 = arith.constant 56 : i32
      %dma_start3A_560 = arith.constant 0 : i32
      %dma_start3A_561 = tpu.memref_slice %arg11[%dma_start3A_559, %dma_start3A_560] : memref<64x128xf32, #tpu.memory_space<vmem>> -> memref<8x128xf32, #tpu.memory_space<vmem>>
      tpu.enqueue_dma source(%dma_start3A_561 : memref<8x128xf32, #tpu.memory_space<vmem>>) target(%dma_start3A_558 : memref<8x128xf32, #tpu.memory_space<hbm>>) target_semaphore(%arg15 : memref<!tpu.dma_semaphore, #tpu.memory_space<semaphore_mem>>)
    }
    %scan3A_20 = arith.constant 100 : i32
    %dma_wait3A = arith.constant 198 : i32
    %dma_wait3A_21 = arith.constant 0 : i32
    %dma_wait3A_22 = arith.constant 0 : i32
    %dma_wait3A_23 = arith.constant 0 : i32
    %dma_wait3A_24 = tpu.memref_slice %arg10[%dma_wait3A_22, %dma_wait3A_23] : memref<64x128xf32, #tpu.memory_space<vmem>> -> memref<8x128xf32, #tpu.memory_space<vmem>>
    %dma_wait3A_25 = arith.constant 0 : i32
    %dma_wait3A_26 = arith.constant 0 : i32
    %dma_wait3A_27 = tpu.memref_slice %arg5[%dma_wait3A, %dma_wait3A_21, %add3A, %dma_wait3A_25, %dma_wait3A_26] : memref<200x8x32x8x128xf32, #tpu.memory_space<hbm>> -> memref<1x1x1x8x128xf32, #tpu.memory_space<hbm>>
    %dma_wait3A_28 = tpu.memref_squeeze %dma_wait3A_27 : memref<1x1x1x8x128xf32, #tpu.memory_space<hbm>> -> memref<8x128xf32, #tpu.memory_space<hbm>>
    %dma_wait3A_29 = arith.constant 0 : i32
    %dma_wait3A_30 = arith.constant 0 : i32
    %dma_wait3A_31 = tpu.memref_slice %arg5[%dma_wait3A, %dma_wait3A_21, %add3A, %dma_wait3A_29, %dma_wait3A_30] : memref<200x8x32x8x128xf32, #tpu.memory_space<hbm>> -> memref<1x1x1x8x128xf32, #tpu.memory_space<hbm>>
    %dma_wait3A_32 = tpu.memref_squeeze %dma_wait3A_31 : memref<1x1x1x8x128xf32, #tpu.memory_space<hbm>> -> memref<8x128xf32, #tpu.memory_space<hbm>>
    %dma_wait3A_33 = arith.constant 0 : i32
    %dma_wait3A_34 = arith.constant 0 : i32
    %dma_wait3A_35 = tpu.memref_slice %arg10[%dma_wait3A_33, %dma_wait3A_34] : memref<64x128xf32, #tpu.memory_space<vmem>> -> memref<8x128xf32, #tpu.memory_space<vmem>>
    tpu.wait_dma2 semaphore(%arg14 : memref<!tpu.dma_semaphore, #tpu.memory_space<semaphore_mem>>) src(%dma_wait3A_35 : memref<8x128xf32, #tpu.memory_space<vmem>>) dst(%dma_wait3A_32 : memref<8x128xf32, #tpu.memory_space<hbm>>)
    %dma_wait3A_36 = arith.constant 198 : i32
    %dma_wait3A_37 = arith.constant 1 : i32
    %dma_wait3A_38 = arith.constant 8 : i32
    %dma_wait3A_39 = arith.constant 0 : i32
    %dma_wait3A_40 = tpu.memref_slice %arg10[%dma_wait3A_38, %dma_wait3A_39] : memref<64x128xf32, #tpu.memory_space<vmem>> -> memref<8x128xf32, #tpu.memory_space<vmem>>
    %dma_wait3A_41 = arith.constant 0 : i32
    %dma_wait3A_42 = arith.constant 0 : i32
    %dma_wait3A_43 = tpu.memref_slice %arg5[%dma_wait3A_36, %dma_wait3A_37, %add3A, %dma_wait3A_41, %dma_wait3A_42] : memref<200x8x32x8x128xf32, #tpu.memory_space<hbm>> -> memref<1x1x1x8x128xf32, #tpu.memory_space<hbm>>
    %dma_wait3A_44 = tpu.memref_squeeze %dma_wait3A_43 : memref<1x1x1x8x128xf32, #tpu.memory_space<hbm>> -> memref<8x128xf32, #tpu.memory_space<hbm>>
    %dma_wait3A_45 = arith.constant 0 : i32
    %dma_wait3A_46 = arith.constant 0 : i32
    %dma_wait3A_47 = tpu.memref_slice %arg5[%dma_wait3A_36, %dma_wait3A_37, %add3A, %dma_wait3A_45, %dma_wait3A_46] : memref<200x8x32x8x128xf32, #tpu.memory_space<hbm>> -> memref<1x1x1x8x128xf32, #tpu.memory_space<hbm>>
    %dma_wait3A_48 = tpu.memref_squeeze %dma_wait3A_47 : memref<1x1x1x8x128xf32, #tpu.memory_space<hbm>> -> memref<8x128xf32, #tpu.memory_space<hbm>>
    %dma_wait3A_49 = arith.constant 8 : i32
    %dma_wait3A_50 = arith.constant 0 : i32
    %dma_wait3A_51 = tpu.memref_slice %arg10[%dma_wait3A_49, %dma_wait3A_50] : memref<64x128xf32, #tpu.memory_space<vmem>> -> memref<8x128xf32, #tpu.memory_space<vmem>>
    tpu.wait_dma2 semaphore(%arg14 : memref<!tpu.dma_semaphore, #tpu.memory_space<semaphore_mem>>) src(%dma_wait3A_51 : memref<8x128xf32, #tpu.memory_space<vmem>>) dst(%dma_wait3A_48 : memref<8x128xf32, #tpu.memory_space<hbm>>)
    %dma_wait3A_52 = arith.constant 198 : i32
    %dma_wait3A_53 = arith.constant 2 : i32
    %dma_wait3A_54 = arith.constant 16 : i32
    %dma_wait3A_55 = arith.constant 0 : i32
    %dma_wait3A_56 = tpu.memref_slice %arg10[%dma_wait3A_54, %dma_wait3A_55] : memref<64x128xf32, #tpu.memory_space<vmem>> -> memref<8x128xf32, #tpu.memory_space<vmem>>
    %dma_wait3A_57 = arith.constant 0 : i32
    %dma_wait3A_58 = arith.constant 0 : i32
    %dma_wait3A_59 = tpu.memref_slice %arg5[%dma_wait3A_52, %dma_wait3A_53, %add3A, %dma_wait3A_57, %dma_wait3A_58] : memref<200x8x32x8x128xf32, #tpu.memory_space<hbm>> -> memref<1x1x1x8x128xf32, #tpu.memory_space<hbm>>
    %dma_wait3A_60 = tpu.memref_squeeze %dma_wait3A_59 : memref<1x1x1x8x128xf32, #tpu.memory_space<hbm>> -> memref<8x128xf32, #tpu.memory_space<hbm>>
    %dma_wait3A_61 = arith.constant 0 : i32
    %dma_wait3A_62 = arith.constant 0 : i32
    %dma_wait3A_63 = tpu.memref_slice %arg5[%dma_wait3A_52, %dma_wait3A_53, %add3A, %dma_wait3A_61, %dma_wait3A_62] : memref<200x8x32x8x128xf32, #tpu.memory_space<hbm>> -> memref<1x1x1x8x128xf32, #tpu.memory_space<hbm>>
    %dma_wait3A_64 = tpu.memref_squeeze %dma_wait3A_63 : memref<1x1x1x8x128xf32, #tpu.memory_space<hbm>> -> memref<8x128xf32, #tpu.memory_space<hbm>>
    %dma_wait3A_65 = arith.constant 16 : i32
    %dma_wait3A_66 = arith.constant 0 : i32
    %dma_wait3A_67 = tpu.memref_slice %arg10[%dma_wait3A_65, %dma_wait3A_66] : memref<64x128xf32, #tpu.memory_space<vmem>> -> memref<8x128xf32, #tpu.memory_space<vmem>>
    tpu.wait_dma2 semaphore(%arg14 : memref<!tpu.dma_semaphore, #tpu.memory_space<semaphore_mem>>) src(%dma_wait3A_67 : memref<8x128xf32, #tpu.memory_space<vmem>>) dst(%dma_wait3A_64 : memref<8x128xf32, #tpu.memory_space<hbm>>)
    %dma_wait3A_68 = arith.constant 198 : i32
    %dma_wait3A_69 = arith.constant 3 : i32
    %dma_wait3A_70 = arith.constant 24 : i32
    %dma_wait3A_71 = arith.constant 0 : i32
    %dma_wait3A_72 = tpu.memref_slice %arg10[%dma_wait3A_70, %dma_wait3A_71] : memref<64x128xf32, #tpu.memory_space<vmem>> -> memref<8x128xf32, #tpu.memory_space<vmem>>
    %dma_wait3A_73 = arith.constant 0 : i32
    %dma_wait3A_74 = arith.constant 0 : i32
    %dma_wait3A_75 = tpu.memref_slice %arg5[%dma_wait3A_68, %dma_wait3A_69, %add3A, %dma_wait3A_73, %dma_wait3A_74] : memref<200x8x32x8x128xf32, #tpu.memory_space<hbm>> -> memref<1x1x1x8x128xf32, #tpu.memory_space<hbm>>
    %dma_wait3A_76 = tpu.memref_squeeze %dma_wait3A_75 : memref<1x1x1x8x128xf32, #tpu.memory_space<hbm>> -> memref<8x128xf32, #tpu.memory_space<hbm>>
    %dma_wait3A_77 = arith.constant 0 : i32
    %dma_wait3A_78 = arith.constant 0 : i32
    %dma_wait3A_79 = tpu.memref_slice %arg5[%dma_wait3A_68, %dma_wait3A_69, %add3A, %dma_wait3A_77, %dma_wait3A_78] : memref<200x8x32x8x128xf32, #tpu.memory_space<hbm>> -> memref<1x1x1x8x128xf32, #tpu.memory_space<hbm>>
    %dma_wait3A_80 = tpu.memref_squeeze %dma_wait3A_79 : memref<1x1x1x8x128xf32, #tpu.memory_space<hbm>> -> memref<8x128xf32, #tpu.memory_space<hbm>>
    %dma_wait3A_81 = arith.constant 24 : i32
    %dma_wait3A_82 = arith.constant 0 : i32
    %dma_wait3A_83 = tpu.memref_slice %arg10[%dma_wait3A_81, %dma_wait3A_82] : memref<64x128xf32, #tpu.memory_space<vmem>> -> memref<8x128xf32, #tpu.memory_space<vmem>>
    tpu.wait_dma2 semaphore(%arg14 : memref<!tpu.dma_semaphore, #tpu.memory_space<semaphore_mem>>) src(%dma_wait3A_83 : memref<8x128xf32, #tpu.memory_space<vmem>>) dst(%dma_wait3A_80 : memref<8x128xf32, #tpu.memory_space<hbm>>)
    %dma_wait3A_84 = arith.constant 198 : i32
    %dma_wait3A_85 = arith.constant 4 : i32
    %dma_wait3A_86 = arith.constant 32 : i32
    %dma_wait3A_87 = arith.constant 0 : i32
    %dma_wait3A_88 = tpu.memref_slice %arg10[%dma_wait3A_86, %dma_wait3A_87] : memref<64x128xf32, #tpu.memory_space<vmem>> -> memref<8x128xf32, #tpu.memory_space<vmem>>
    %dma_wait3A_89 = arith.constant 0 : i32
    %dma_wait3A_90 = arith.constant 0 : i32
    %dma_wait3A_91 = tpu.memref_slice %arg5[%dma_wait3A_84, %dma_wait3A_85, %add3A, %dma_wait3A_89, %dma_wait3A_90] : memref<200x8x32x8x128xf32, #tpu.memory_space<hbm>> -> memref<1x1x1x8x128xf32, #tpu.memory_space<hbm>>
    %dma_wait3A_92 = tpu.memref_squeeze %dma_wait3A_91 : memref<1x1x1x8x128xf32, #tpu.memory_space<hbm>> -> memref<8x128xf32, #tpu.memory_space<hbm>>
    %dma_wait3A_93 = arith.constant 0 : i32
    %dma_wait3A_94 = arith.constant 0 : i32
    %dma_wait3A_95 = tpu.memref_slice %arg5[%dma_wait3A_84, %dma_wait3A_85, %add3A, %dma_wait3A_93, %dma_wait3A_94] : memref<200x8x32x8x128xf32, #tpu.memory_space<hbm>> -> memref<1x1x1x8x128xf32, #tpu.memory_space<hbm>>
    %dma_wait3A_96 = tpu.memref_squeeze %dma_wait3A_95 : memref<1x1x1x8x128xf32, #tpu.memory_space<hbm>> -> memref<8x128xf32, #tpu.memory_space<hbm>>
    %dma_wait3A_97 = arith.constant 32 : i32
    %dma_wait3A_98 = arith.constant 0 : i32
    %dma_wait3A_99 = tpu.memref_slice %arg10[%dma_wait3A_97, %dma_wait3A_98] : memref<64x128xf32, #tpu.memory_space<vmem>> -> memref<8x128xf32, #tpu.memory_space<vmem>>
    tpu.wait_dma2 semaphore(%arg14 : memref<!tpu.dma_semaphore, #tpu.memory_space<semaphore_mem>>) src(%dma_wait3A_99 : memref<8x128xf32, #tpu.memory_space<vmem>>) dst(%dma_wait3A_96 : memref<8x128xf32, #tpu.memory_space<hbm>>)
    %dma_wait3A_100 = arith.constant 198 : i32
    %dma_wait3A_101 = arith.constant 5 : i32
    %dma_wait3A_102 = arith.constant 40 : i32
    %dma_wait3A_103 = arith.constant 0 : i32
    %dma_wait3A_104 = tpu.memref_slice %arg10[%dma_wait3A_102, %dma_wait3A_103] : memref<64x128xf32, #tpu.memory_space<vmem>> -> memref<8x128xf32, #tpu.memory_space<vmem>>
    %dma_wait3A_105 = arith.constant 0 : i32
    %dma_wait3A_106 = arith.constant 0 : i32
    %dma_wait3A_107 = tpu.memref_slice %arg5[%dma_wait3A_100, %dma_wait3A_101, %add3A, %dma_wait3A_105, %dma_wait3A_106] : memref<200x8x32x8x128xf32, #tpu.memory_space<hbm>> -> memref<1x1x1x8x128xf32, #tpu.memory_space<hbm>>
    %dma_wait3A_108 = tpu.memref_squeeze %dma_wait3A_107 : memref<1x1x1x8x128xf32, #tpu.memory_space<hbm>> -> memref<8x128xf32, #tpu.memory_space<hbm>>
    %dma_wait3A_109 = arith.constant 0 : i32
    %dma_wait3A_110 = arith.constant 0 : i32
    %dma_wait3A_111 = tpu.memref_slice %arg5[%dma_wait3A_100, %dma_wait3A_101, %add3A, %dma_wait3A_109, %dma_wait3A_110] : memref<200x8x32x8x128xf32, #tpu.memory_space<hbm>> -> memref<1x1x1x8x128xf32, #tpu.memory_space<hbm>>
    %dma_wait3A_112 = tpu.memref_squeeze %dma_wait3A_111 : memref<1x1x1x8x128xf32, #tpu.memory_space<hbm>> -> memref<8x128xf32, #tpu.memory_space<hbm>>
    %dma_wait3A_113 = arith.constant 40 : i32
    %dma_wait3A_114 = arith.constant 0 : i32
    %dma_wait3A_115 = tpu.memref_slice %arg10[%dma_wait3A_113, %dma_wait3A_114] : memref<64x128xf32, #tpu.memory_space<vmem>> -> memref<8x128xf32, #tpu.memory_space<vmem>>
    tpu.wait_dma2 semaphore(%arg14 : memref<!tpu.dma_semaphore, #tpu.memory_space<semaphore_mem>>) src(%dma_wait3A_115 : memref<8x128xf32, #tpu.memory_space<vmem>>) dst(%dma_wait3A_112 : memref<8x128xf32, #tpu.memory_space<hbm>>)
    %dma_wait3A_116 = arith.constant 198 : i32
    %dma_wait3A_117 = arith.constant 6 : i32
    %dma_wait3A_118 = arith.constant 48 : i32
    %dma_wait3A_119 = arith.constant 0 : i32
    %dma_wait3A_120 = tpu.memref_slice %arg10[%dma_wait3A_118, %dma_wait3A_119] : memref<64x128xf32, #tpu.memory_space<vmem>> -> memref<8x128xf32, #tpu.memory_space<vmem>>
    %dma_wait3A_121 = arith.constant 0 : i32
    %dma_wait3A_122 = arith.constant 0 : i32
    %dma_wait3A_123 = tpu.memref_slice %arg5[%dma_wait3A_116, %dma_wait3A_117, %add3A, %dma_wait3A_121, %dma_wait3A_122] : memref<200x8x32x8x128xf32, #tpu.memory_space<hbm>> -> memref<1x1x1x8x128xf32, #tpu.memory_space<hbm>>
    %dma_wait3A_124 = tpu.memref_squeeze %dma_wait3A_123 : memref<1x1x1x8x128xf32, #tpu.memory_space<hbm>> -> memref<8x128xf32, #tpu.memory_space<hbm>>
    %dma_wait3A_125 = arith.constant 0 : i32
    %dma_wait3A_126 = arith.constant 0 : i32
    %dma_wait3A_127 = tpu.memref_slice %arg5[%dma_wait3A_116, %dma_wait3A_117, %add3A, %dma_wait3A_125, %dma_wait3A_126] : memref<200x8x32x8x128xf32, #tpu.memory_space<hbm>> -> memref<1x1x1x8x128xf32, #tpu.memory_space<hbm>>
    %dma_wait3A_128 = tpu.memref_squeeze %dma_wait3A_127 : memref<1x1x1x8x128xf32, #tpu.memory_space<hbm>> -> memref<8x128xf32, #tpu.memory_space<hbm>>
    %dma_wait3A_129 = arith.constant 48 : i32
    %dma_wait3A_130 = arith.constant 0 : i32
    %dma_wait3A_131 = tpu.memref_slice %arg10[%dma_wait3A_129, %dma_wait3A_130] : memref<64x128xf32, #tpu.memory_space<vmem>> -> memref<8x128xf32, #tpu.memory_space<vmem>>
    tpu.wait_dma2 semaphore(%arg14 : memref<!tpu.dma_semaphore, #tpu.memory_space<semaphore_mem>>) src(%dma_wait3A_131 : memref<8x128xf32, #tpu.memory_space<vmem>>) dst(%dma_wait3A_128 : memref<8x128xf32, #tpu.memory_space<hbm>>)
    %dma_wait3A_132 = arith.constant 198 : i32
    %dma_wait3A_133 = arith.constant 7 : i32
    %dma_wait3A_134 = arith.constant 56 : i32
    %dma_wait3A_135 = arith.constant 0 : i32
    %dma_wait3A_136 = tpu.memref_slice %arg10[%dma_wait3A_134, %dma_wait3A_135] : memref<64x128xf32, #tpu.memory_space<vmem>> -> memref<8x128xf32, #tpu.memory_space<vmem>>
    %dma_wait3A_137 = arith.constant 0 : i32
    %dma_wait3A_138 = arith.constant 0 : i32
    %dma_wait3A_139 = tpu.memref_slice %arg5[%dma_wait3A_132, %dma_wait3A_133, %add3A, %dma_wait3A_137, %dma_wait3A_138] : memref<200x8x32x8x128xf32, #tpu.memory_space<hbm>> -> memref<1x1x1x8x128xf32, #tpu.memory_space<hbm>>
    %dma_wait3A_140 = tpu.memref_squeeze %dma_wait3A_139 : memref<1x1x1x8x128xf32, #tpu.memory_space<hbm>> -> memref<8x128xf32, #tpu.memory_space<hbm>>
    %dma_wait3A_141 = arith.constant 0 : i32
    %dma_wait3A_142 = arith.constant 0 : i32
    %dma_wait3A_143 = tpu.memref_slice %arg5[%dma_wait3A_132, %dma_wait3A_133, %add3A, %dma_wait3A_141, %dma_wait3A_142] : memref<200x8x32x8x128xf32, #tpu.memory_space<hbm>> -> memref<1x1x1x8x128xf32, #tpu.memory_space<hbm>>
    %dma_wait3A_144 = tpu.memref_squeeze %dma_wait3A_143 : memref<1x1x1x8x128xf32, #tpu.memory_space<hbm>> -> memref<8x128xf32, #tpu.memory_space<hbm>>
    %dma_wait3A_145 = arith.constant 56 : i32
    %dma_wait3A_146 = arith.constant 0 : i32
    %dma_wait3A_147 = tpu.memref_slice %arg10[%dma_wait3A_145, %dma_wait3A_146] : memref<64x128xf32, #tpu.memory_space<vmem>> -> memref<8x128xf32, #tpu.memory_space<vmem>>
    tpu.wait_dma2 semaphore(%arg14 : memref<!tpu.dma_semaphore, #tpu.memory_space<semaphore_mem>>) src(%dma_wait3A_147 : memref<8x128xf32, #tpu.memory_space<vmem>>) dst(%dma_wait3A_144 : memref<8x128xf32, #tpu.memory_space<hbm>>)
    %dma_wait3A_148 = arith.constant 199 : i32
    %dma_wait3A_149 = arith.constant 0 : i32
    %dma_wait3A_150 = arith.constant 0 : i32
    %dma_wait3A_151 = arith.constant 0 : i32
    %dma_wait3A_152 = tpu.memref_slice %arg11[%dma_wait3A_150, %dma_wait3A_151] : memref<64x128xf32, #tpu.memory_space<vmem>> -> memref<8x128xf32, #tpu.memory_space<vmem>>
    %dma_wait3A_153 = arith.constant 0 : i32
    %dma_wait3A_154 = arith.constant 0 : i32
    %dma_wait3A_155 = tpu.memref_slice %arg5[%dma_wait3A_148, %dma_wait3A_149, %add3A, %dma_wait3A_153, %dma_wait3A_154] : memref<200x8x32x8x128xf32, #tpu.memory_space<hbm>> -> memref<1x1x1x8x128xf32, #tpu.memory_space<hbm>>
    %dma_wait3A_156 = tpu.memref_squeeze %dma_wait3A_155 : memref<1x1x1x8x128xf32, #tpu.memory_space<hbm>> -> memref<8x128xf32, #tpu.memory_space<hbm>>
    %dma_wait3A_157 = arith.constant 0 : i32
    %dma_wait3A_158 = arith.constant 0 : i32
    %dma_wait3A_159 = tpu.memref_slice %arg5[%dma_wait3A_148, %dma_wait3A_149, %add3A, %dma_wait3A_157, %dma_wait3A_158] : memref<200x8x32x8x128xf32, #tpu.memory_space<hbm>> -> memref<1x1x1x8x128xf32, #tpu.memory_space<hbm>>
    %dma_wait3A_160 = tpu.memref_squeeze %dma_wait3A_159 : memref<1x1x1x8x128xf32, #tpu.memory_space<hbm>> -> memref<8x128xf32, #tpu.memory_space<hbm>>
    %dma_wait3A_161 = arith.constant 0 : i32
    %dma_wait3A_162 = arith.constant 0 : i32
    %dma_wait3A_163 = tpu.memref_slice %arg11[%dma_wait3A_161, %dma_wait3A_162] : memref<64x128xf32, #tpu.memory_space<vmem>> -> memref<8x128xf32, #tpu.memory_space<vmem>>
    tpu.wait_dma2 semaphore(%arg15 : memref<!tpu.dma_semaphore, #tpu.memory_space<semaphore_mem>>) src(%dma_wait3A_163 : memref<8x128xf32, #tpu.memory_space<vmem>>) dst(%dma_wait3A_160 : memref<8x128xf32, #tpu.memory_space<hbm>>)
    %dma_wait3A_164 = arith.constant 199 : i32
    %dma_wait3A_165 = arith.constant 1 : i32
    %dma_wait3A_166 = arith.constant 8 : i32
    %dma_wait3A_167 = arith.constant 0 : i32
    %dma_wait3A_168 = tpu.memref_slice %arg11[%dma_wait3A_166, %dma_wait3A_167] : memref<64x128xf32, #tpu.memory_space<vmem>> -> memref<8x128xf32, #tpu.memory_space<vmem>>
    %dma_wait3A_169 = arith.constant 0 : i32
    %dma_wait3A_170 = arith.constant 0 : i32
    %dma_wait3A_171 = tpu.memref_slice %arg5[%dma_wait3A_164, %dma_wait3A_165, %add3A, %dma_wait3A_169, %dma_wait3A_170] : memref<200x8x32x8x128xf32, #tpu.memory_space<hbm>> -> memref<1x1x1x8x128xf32, #tpu.memory_space<hbm>>
    %dma_wait3A_172 = tpu.memref_squeeze %dma_wait3A_171 : memref<1x1x1x8x128xf32, #tpu.memory_space<hbm>> -> memref<8x128xf32, #tpu.memory_space<hbm>>
    %dma_wait3A_173 = arith.constant 0 : i32
    %dma_wait3A_174 = arith.constant 0 : i32
    %dma_wait3A_175 = tpu.memref_slice %arg5[%dma_wait3A_164, %dma_wait3A_165, %add3A, %dma_wait3A_173, %dma_wait3A_174] : memref<200x8x32x8x128xf32, #tpu.memory_space<hbm>> -> memref<1x1x1x8x128xf32, #tpu.memory_space<hbm>>
    %dma_wait3A_176 = tpu.memref_squeeze %dma_wait3A_175 : memref<1x1x1x8x128xf32, #tpu.memory_space<hbm>> -> memref<8x128xf32, #tpu.memory_space<hbm>>
    %dma_wait3A_177 = arith.constant 8 : i32
    %dma_wait3A_178 = arith.constant 0 : i32
    %dma_wait3A_179 = tpu.memref_slice %arg11[%dma_wait3A_177, %dma_wait3A_178] : memref<64x128xf32, #tpu.memory_space<vmem>> -> memref<8x128xf32, #tpu.memory_space<vmem>>
    tpu.wait_dma2 semaphore(%arg15 : memref<!tpu.dma_semaphore, #tpu.memory_space<semaphore_mem>>) src(%dma_wait3A_179 : memref<8x128xf32, #tpu.memory_space<vmem>>) dst(%dma_wait3A_176 : memref<8x128xf32, #tpu.memory_space<hbm>>)
    %dma_wait3A_180 = arith.constant 199 : i32
    %dma_wait3A_181 = arith.constant 2 : i32
    %dma_wait3A_182 = arith.constant 16 : i32
    %dma_wait3A_183 = arith.constant 0 : i32
    %dma_wait3A_184 = tpu.memref_slice %arg11[%dma_wait3A_182, %dma_wait3A_183] : memref<64x128xf32, #tpu.memory_space<vmem>> -> memref<8x128xf32, #tpu.memory_space<vmem>>
    %dma_wait3A_185 = arith.constant 0 : i32
    %dma_wait3A_186 = arith.constant 0 : i32
    %dma_wait3A_187 = tpu.memref_slice %arg5[%dma_wait3A_180, %dma_wait3A_181, %add3A, %dma_wait3A_185, %dma_wait3A_186] : memref<200x8x32x8x128xf32, #tpu.memory_space<hbm>> -> memref<1x1x1x8x128xf32, #tpu.memory_space<hbm>>
    %dma_wait3A_188 = tpu.memref_squeeze %dma_wait3A_187 : memref<1x1x1x8x128xf32, #tpu.memory_space<hbm>> -> memref<8x128xf32, #tpu.memory_space<hbm>>
    %dma_wait3A_189 = arith.constant 0 : i32
    %dma_wait3A_190 = arith.constant 0 : i32
    %dma_wait3A_191 = tpu.memref_slice %arg5[%dma_wait3A_180, %dma_wait3A_181, %add3A, %dma_wait3A_189, %dma_wait3A_190] : memref<200x8x32x8x128xf32, #tpu.memory_space<hbm>> -> memref<1x1x1x8x128xf32, #tpu.memory_space<hbm>>
    %dma_wait3A_192 = tpu.memref_squeeze %dma_wait3A_191 : memref<1x1x1x8x128xf32, #tpu.memory_space<hbm>> -> memref<8x128xf32, #tpu.memory_space<hbm>>
    %dma_wait3A_193 = arith.constant 16 : i32
    %dma_wait3A_194 = arith.constant 0 : i32
    %dma_wait3A_195 = tpu.memref_slice %arg11[%dma_wait3A_193, %dma_wait3A_194] : memref<64x128xf32, #tpu.memory_space<vmem>> -> memref<8x128xf32, #tpu.memory_space<vmem>>
    tpu.wait_dma2 semaphore(%arg15 : memref<!tpu.dma_semaphore, #tpu.memory_space<semaphore_mem>>) src(%dma_wait3A_195 : memref<8x128xf32, #tpu.memory_space<vmem>>) dst(%dma_wait3A_192 : memref<8x128xf32, #tpu.memory_space<hbm>>)
    %dma_wait3A_196 = arith.constant 199 : i32
    %dma_wait3A_197 = arith.constant 3 : i32
    %dma_wait3A_198 = arith.constant 24 : i32
    %dma_wait3A_199 = arith.constant 0 : i32
    %dma_wait3A_200 = tpu.memref_slice %arg11[%dma_wait3A_198, %dma_wait3A_199] : memref<64x128xf32, #tpu.memory_space<vmem>> -> memref<8x128xf32, #tpu.memory_space<vmem>>
    %dma_wait3A_201 = arith.constant 0 : i32
    %dma_wait3A_202 = arith.constant 0 : i32
    %dma_wait3A_203 = tpu.memref_slice %arg5[%dma_wait3A_196, %dma_wait3A_197, %add3A, %dma_wait3A_201, %dma_wait3A_202] : memref<200x8x32x8x128xf32, #tpu.memory_space<hbm>> -> memref<1x1x1x8x128xf32, #tpu.memory_space<hbm>>
    %dma_wait3A_204 = tpu.memref_squeeze %dma_wait3A_203 : memref<1x1x1x8x128xf32, #tpu.memory_space<hbm>> -> memref<8x128xf32, #tpu.memory_space<hbm>>
    %dma_wait3A_205 = arith.constant 0 : i32
    %dma_wait3A_206 = arith.constant 0 : i32
    %dma_wait3A_207 = tpu.memref_slice %arg5[%dma_wait3A_196, %dma_wait3A_197, %add3A, %dma_wait3A_205, %dma_wait3A_206] : memref<200x8x32x8x128xf32, #tpu.memory_space<hbm>> -> memref<1x1x1x8x128xf32, #tpu.memory_space<hbm>>
    %dma_wait3A_208 = tpu.memref_squeeze %dma_wait3A_207 : memref<1x1x1x8x128xf32, #tpu.memory_space<hbm>> -> memref<8x128xf32, #tpu.memory_space<hbm>>
    %dma_wait3A_209 = arith.constant 24 : i32
    %dma_wait3A_210 = arith.constant 0 : i32
    %dma_wait3A_211 = tpu.memref_slice %arg11[%dma_wait3A_209, %dma_wait3A_210] : memref<64x128xf32, #tpu.memory_space<vmem>> -> memref<8x128xf32, #tpu.memory_space<vmem>>
    tpu.wait_dma2 semaphore(%arg15 : memref<!tpu.dma_semaphore, #tpu.memory_space<semaphore_mem>>) src(%dma_wait3A_211 : memref<8x128xf32, #tpu.memory_space<vmem>>) dst(%dma_wait3A_208 : memref<8x128xf32, #tpu.memory_space<hbm>>)
    %dma_wait3A_212 = arith.constant 199 : i32
    %dma_wait3A_213 = arith.constant 4 : i32
    %dma_wait3A_214 = arith.constant 32 : i32
    %dma_wait3A_215 = arith.constant 0 : i32
    %dma_wait3A_216 = tpu.memref_slice %arg11[%dma_wait3A_214, %dma_wait3A_215] : memref<64x128xf32, #tpu.memory_space<vmem>> -> memref<8x128xf32, #tpu.memory_space<vmem>>
    %dma_wait3A_217 = arith.constant 0 : i32
    %dma_wait3A_218 = arith.constant 0 : i32
    %dma_wait3A_219 = tpu.memref_slice %arg5[%dma_wait3A_212, %dma_wait3A_213, %add3A, %dma_wait3A_217, %dma_wait3A_218] : memref<200x8x32x8x128xf32, #tpu.memory_space<hbm>> -> memref<1x1x1x8x128xf32, #tpu.memory_space<hbm>>
    %dma_wait3A_220 = tpu.memref_squeeze %dma_wait3A_219 : memref<1x1x1x8x128xf32, #tpu.memory_space<hbm>> -> memref<8x128xf32, #tpu.memory_space<hbm>>
    %dma_wait3A_221 = arith.constant 0 : i32
    %dma_wait3A_222 = arith.constant 0 : i32
    %dma_wait3A_223 = tpu.memref_slice %arg5[%dma_wait3A_212, %dma_wait3A_213, %add3A, %dma_wait3A_221, %dma_wait3A_222] : memref<200x8x32x8x128xf32, #tpu.memory_space<hbm>> -> memref<1x1x1x8x128xf32, #tpu.memory_space<hbm>>
    %dma_wait3A_224 = tpu.memref_squeeze %dma_wait3A_223 : memref<1x1x1x8x128xf32, #tpu.memory_space<hbm>> -> memref<8x128xf32, #tpu.memory_space<hbm>>
    %dma_wait3A_225 = arith.constant 32 : i32
    %dma_wait3A_226 = arith.constant 0 : i32
    %dma_wait3A_227 = tpu.memref_slice %arg11[%dma_wait3A_225, %dma_wait3A_226] : memref<64x128xf32, #tpu.memory_space<vmem>> -> memref<8x128xf32, #tpu.memory_space<vmem>>
    tpu.wait_dma2 semaphore(%arg15 : memref<!tpu.dma_semaphore, #tpu.memory_space<semaphore_mem>>) src(%dma_wait3A_227 : memref<8x128xf32, #tpu.memory_space<vmem>>) dst(%dma_wait3A_224 : memref<8x128xf32, #tpu.memory_space<hbm>>)
    %dma_wait3A_228 = arith.constant 199 : i32
    %dma_wait3A_229 = arith.constant 5 : i32
    %dma_wait3A_230 = arith.constant 40 : i32
    %dma_wait3A_231 = arith.constant 0 : i32
    %dma_wait3A_232 = tpu.memref_slice %arg11[%dma_wait3A_230, %dma_wait3A_231] : memref<64x128xf32, #tpu.memory_space<vmem>> -> memref<8x128xf32, #tpu.memory_space<vmem>>
    %dma_wait3A_233 = arith.constant 0 : i32
    %dma_wait3A_234 = arith.constant 0 : i32
    %dma_wait3A_235 = tpu.memref_slice %arg5[%dma_wait3A_228, %dma_wait3A_229, %add3A, %dma_wait3A_233, %dma_wait3A_234] : memref<200x8x32x8x128xf32, #tpu.memory_space<hbm>> -> memref<1x1x1x8x128xf32, #tpu.memory_space<hbm>>
    %dma_wait3A_236 = tpu.memref_squeeze %dma_wait3A_235 : memref<1x1x1x8x128xf32, #tpu.memory_space<hbm>> -> memref<8x128xf32, #tpu.memory_space<hbm>>
    %dma_wait3A_237 = arith.constant 0 : i32
    %dma_wait3A_238 = arith.constant 0 : i32
    %dma_wait3A_239 = tpu.memref_slice %arg5[%dma_wait3A_228, %dma_wait3A_229, %add3A, %dma_wait3A_237, %dma_wait3A_238] : memref<200x8x32x8x128xf32, #tpu.memory_space<hbm>> -> memref<1x1x1x8x128xf32, #tpu.memory_space<hbm>>
    %dma_wait3A_240 = tpu.memref_squeeze %dma_wait3A_239 : memref<1x1x1x8x128xf32, #tpu.memory_space<hbm>> -> memref<8x128xf32, #tpu.memory_space<hbm>>
    %dma_wait3A_241 = arith.constant 40 : i32
    %dma_wait3A_242 = arith.constant 0 : i32
    %dma_wait3A_243 = tpu.memref_slice %arg11[%dma_wait3A_241, %dma_wait3A_242] : memref<64x128xf32, #tpu.memory_space<vmem>> -> memref<8x128xf32, #tpu.memory_space<vmem>>
    tpu.wait_dma2 semaphore(%arg15 : memref<!tpu.dma_semaphore, #tpu.memory_space<semaphore_mem>>) src(%dma_wait3A_243 : memref<8x128xf32, #tpu.memory_space<vmem>>) dst(%dma_wait3A_240 : memref<8x128xf32, #tpu.memory_space<hbm>>)
    %dma_wait3A_244 = arith.constant 199 : i32
    %dma_wait3A_245 = arith.constant 6 : i32
    %dma_wait3A_246 = arith.constant 48 : i32
    %dma_wait3A_247 = arith.constant 0 : i32
    %dma_wait3A_248 = tpu.memref_slice %arg11[%dma_wait3A_246, %dma_wait3A_247] : memref<64x128xf32, #tpu.memory_space<vmem>> -> memref<8x128xf32, #tpu.memory_space<vmem>>
    %dma_wait3A_249 = arith.constant 0 : i32
    %dma_wait3A_250 = arith.constant 0 : i32
    %dma_wait3A_251 = tpu.memref_slice %arg5[%dma_wait3A_244, %dma_wait3A_245, %add3A, %dma_wait3A_249, %dma_wait3A_250] : memref<200x8x32x8x128xf32, #tpu.memory_space<hbm>> -> memref<1x1x1x8x128xf32, #tpu.memory_space<hbm>>
    %dma_wait3A_252 = tpu.memref_squeeze %dma_wait3A_251 : memref<1x1x1x8x128xf32, #tpu.memory_space<hbm>> -> memref<8x128xf32, #tpu.memory_space<hbm>>
    %dma_wait3A_253 = arith.constant 0 : i32
    %dma_wait3A_254 = arith.constant 0 : i32
    %dma_wait3A_255 = tpu.memref_slice %arg5[%dma_wait3A_244, %dma_wait3A_245, %add3A, %dma_wait3A_253, %dma_wait3A_254] : memref<200x8x32x8x128xf32, #tpu.memory_space<hbm>> -> memref<1x1x1x8x128xf32, #tpu.memory_space<hbm>>
    %dma_wait3A_256 = tpu.memref_squeeze %dma_wait3A_255 : memref<1x1x1x8x128xf32, #tpu.memory_space<hbm>> -> memref<8x128xf32, #tpu.memory_space<hbm>>
    %dma_wait3A_257 = arith.constant 48 : i32
    %dma_wait3A_258 = arith.constant 0 : i32
    %dma_wait3A_259 = tpu.memref_slice %arg11[%dma_wait3A_257, %dma_wait3A_258] : memref<64x128xf32, #tpu.memory_space<vmem>> -> memref<8x128xf32, #tpu.memory_space<vmem>>
    tpu.wait_dma2 semaphore(%arg15 : memref<!tpu.dma_semaphore, #tpu.memory_space<semaphore_mem>>) src(%dma_wait3A_259 : memref<8x128xf32, #tpu.memory_space<vmem>>) dst(%dma_wait3A_256 : memref<8x128xf32, #tpu.memory_space<hbm>>)
    %dma_wait3A_260 = arith.constant 199 : i32
    %dma_wait3A_261 = arith.constant 7 : i32
    %dma_wait3A_262 = arith.constant 56 : i32
    %dma_wait3A_263 = arith.constant 0 : i32
    %dma_wait3A_264 = tpu.memref_slice %arg11[%dma_wait3A_262, %dma_wait3A_263] : memref<64x128xf32, #tpu.memory_space<vmem>> -> memref<8x128xf32, #tpu.memory_space<vmem>>
    %dma_wait3A_265 = arith.constant 0 : i32
    %dma_wait3A_266 = arith.constant 0 : i32
    %dma_wait3A_267 = tpu.memref_slice %arg5[%dma_wait3A_260, %dma_wait3A_261, %add3A, %dma_wait3A_265, %dma_wait3A_266] : memref<200x8x32x8x128xf32, #tpu.memory_space<hbm>> -> memref<1x1x1x8x128xf32, #tpu.memory_space<hbm>>
    %dma_wait3A_268 = tpu.memref_squeeze %dma_wait3A_267 : memref<1x1x1x8x128xf32, #tpu.memory_space<hbm>> -> memref<8x128xf32, #tpu.memory_space<hbm>>
    %dma_wait3A_269 = arith.constant 0 : i32
    %dma_wait3A_270 = arith.constant 0 : i32
    %dma_wait3A_271 = tpu.memref_slice %arg5[%dma_wait3A_260, %dma_wait3A_261, %add3A, %dma_wait3A_269, %dma_wait3A_270] : memref<200x8x32x8x128xf32, #tpu.memory_space<hbm>> -> memref<1x1x1x8x128xf32, #tpu.memory_space<hbm>>
    %dma_wait3A_272 = tpu.memref_squeeze %dma_wait3A_271 : memref<1x1x1x8x128xf32, #tpu.memory_space<hbm>> -> memref<8x128xf32, #tpu.memory_space<hbm>>
    %dma_wait3A_273 = arith.constant 56 : i32
    %dma_wait3A_274 = arith.constant 0 : i32
    %dma_wait3A_275 = tpu.memref_slice %arg11[%dma_wait3A_273, %dma_wait3A_274] : memref<64x128xf32, #tpu.memory_space<vmem>> -> memref<8x128xf32, #tpu.memory_space<vmem>>
    tpu.wait_dma2 semaphore(%arg15 : memref<!tpu.dma_semaphore, #tpu.memory_space<semaphore_mem>>) src(%dma_wait3A_275 : memref<8x128xf32, #tpu.memory_space<vmem>>) dst(%dma_wait3A_272 : memref<8x128xf32, #tpu.memory_space<hbm>>)
    return
  }
}

</mosaic_0001>

<sc_bundles>
// kernel: kernel.3.cloned.1.call-start
scs
__scs_entry_jumppad:
0x0: {  	(pc) =	sbr.rel $0x88, $3  }
0x1: {  	(tag) =	ssettag $0x0;
	lr =	simm.s32 $0x1  }
0x2: {  	[smem:$0x3F9E] =	sst lr;
	_ =	strace $0xD0000000  }
0x3: {  	_ = 	snop  }
0x4: {  	_ = 	snop  }
0x5: {  	_ = 	snop  }
0x6: {  	_ = 	snop  }
0x7: {  	_ = 	snop  }
__scs_overlays_trampoline_lowered:
0x8: {  	[smem:$0x3FAD] =	sst s0  }
0x9: {  	[smem:$0x3FAE] =	sst s1  }
0xa: {  	[smem:$0x3FAF] =	sst s2  }
0xb: {  	[smem:$0x3FB0] =	sst s3  }
0xc: {  	[smem:$0x3FB1] =	sst s4  }
0xd: {  	[smem:$0x3FB2] =	sst s5  }
0xe: {  	[smem:$0x3FB3] =	sst s6  }
0xf: {  	[smem:$0x3FB4] =	sst s7  }
0x10: {  	[smem:$0x3FB5] =	sst s8  }
0x11: {  	[smem:$0x3FB6] =	sst s9;
	s0 =	simm.s32 @!p0 $0x0  }
0x12: {  	s1 =	sld [smem:$0x3F9C];
	s0 =	simm.s32 @p0 $0x1  }
0x13: {  	[smem:$0x3FB7] =	sst s0;
	s0 =	simm.s32 @!p1 $0x0  }
0x14: {  	s2 =	sld [smem:$0x3F9B];
	s0 =	simm.s32 @p1 $0x1  }
0x15: {  	[smem:$0x3FB8] =	sst s0;
	s0 =	simm.s32 @!p2 $0x0  }
0x16: {  	s3 =	sld [smem:$0x3FDB];
	s0 =	simm.s32 @p2 $0x1  }
0x17: {  	s4 =	simm.s32 $0x1BF5;
	[smem:$0x3FBA] =	sst s0  }
0x18: {  	s0 =	sld [smem:$0x3F9D];
	_ =	swait.ge [sflag:s4], $0x0  }
0x19: {  	s7 =	sld [smem:$0x3F9E]  }
0x1a: {  	s8 =	sadd.s32 $0xFFFFE003, lr  }
0x1b: {  	s9 =	sadd.s32 $0xFFFFFEF7, lr;
	s5 =	simm.s32 $0xFFFFFFFF;
	p2 =	slt.u32 s8, $0xFFFFF086  }
0x1c: {  	p1 =	slt.u32 s9, $0xF7A;
	s5 =	simm.s32 @!p2 $0x0  }
0x1d: {  	s5 =	simm.s32 @p1 $0x1;
	p0 =	seq.s32 s7, s2  }
0x1e: {  	s7 =	smul.u32 @!p0 $0xF7A, s2;
	p2 =	seq.s32 @!p0 s5, $0x0  }
0x1f: {  	s9 =	smul.u32 $0xF7A, s1;
	s8 =	simm.s32 @!p0 $0x1BF5;
	p2 =	por !p2, p0  }
0x20: {  	[sflag:s8] =	ssyncset.s32 @!p0 $0xFFFFF086;
	s6 =	sadd.s32 @!p0 s3, s7;
	s7 =	simm.s32 @!p0 $0x108  }
0x21: {  	s3 =	sadd.s32 s3, s9;
	s6 =	sadd.s32 @!p0 $0x88, s6;
	s7 =	simm.s32 @p2 $0x1082  }
0x22: {  	[simem:s7], [sflag:s8] =	dma.local @!p0 [hbm:s6], $0xF7A  }
0x23: {  	s9 =	sor.u32 $0xD0000000, s2;
	s6 =	simm.s32 $0x108;
	_ =	swait.ge @!p0 [sflag:s8], $0x0  }
0x24: {  	s3 =	sadd.s32 $0x88, s3;
	s6 =	simm.s32 @!p1 $0x1082;
	[sflag:s4] =	ssyncset.s32 $0xFFFFF086  }
0x25: {  	[simem:s6], [sflag:s4] =	dma.local [hbm:s3], $0xF7A  }
0x26: {  	[smem:$0x3F9E] =	sst s1;
	(tag) =	ssettag s2;
	_ =	strace s9  }
0x27: {  	s1 =	sld [smem:$0x3FAE]  }
0x28: {  	s2 =	sld [smem:$0x3FAF]  }
0x29: {  	s4 =	sld [smem:$0x3FB1]  }
0x2a: {  	p0 =	seq.s32 s5, $0x0;
	s5 =	sld [smem:$0x3FB2]  }
0x2b: {  	s6 =	sld [smem:$0x3FB3]  }
0x2c: {  	s7 =	sld [smem:$0x3FB4]  }
0x2d: {  	s3 =	simm.s32 $0x108;
	s8 =	sld [smem:$0x3FB5]  }
0x2e: {  	s3 =	simm.s32 @!p0 $0x1082;
	s9 =	sld [smem:$0x3FB6]  }
0x2f: {  	lr =	sadd.s32 s0, s3;
	s0 =	sld [smem:$0x3FAD]  }
0x30: {  	s3 =	sld [smem:$0x3FB0]  }
0x31: {  	[smem:$0x3FB9] =	sst s10  }
0x32: {  	s10 =	sld [smem:$0x3FB7];
	_ =	sdelay $0x3  }
0x33: {  	p0 =	seq.s32 s10, $0x1;
	s10 =	sld [smem:$0x3FB9];
	_ =	sdelay $0x3  }
0x34: {  	[smem:$0x3FB9] =	sst s10  }
0x35: {  	s10 =	sld [smem:$0x3FB8];
	_ =	sdelay $0x3  }
0x36: {  	p1 =	seq.s32 s10, $0x1;
	s10 =	sld [smem:$0x3FB9];
	_ =	sdelay $0x3  }
0x37: {  	[smem:$0x3FB9] =	sst s10  }
0x38: {  	s10 =	sld [smem:$0x3FBA]  }
0x39: {  	_ = 	snop;
	(pc) =	sbr.ind lr, $3  }
0x3a: {  	_ = 	snop  }
0x3b: {  	_ = 	snop  }
0x3c: {  	p2 =	seq.s32 s10, $0x1;
	s10 =	sld [smem:$0x3FB9]  }
0x3d: {  	_ =	shalt  }
0x3e: {  	_ =	shalt  }
0x3f: {  	_ =	shalt  }
0x40: {  	_ =	shalt  }
0x41: {  	_ =	shalt  }
0x42: {  	_ =	shalt  }
0x43: {  	_ =	shalt  }
0x44: {  	_ =	shalt  }
0x45: {  	_ =	shalt  }
0x46: {  	_ =	shalt  }
0x47: {  	_ =	shalt  }
0x48: {  	_ =	shalt  }
0x49: {  	_ =	shalt  }
0x4a: {  	_ =	shalt  }
0x4b: {  	_ =	shalt  }
0x4c: {  	_ =	shalt  }
0x4d: {  	_ =	shalt  }
0x4e: {  	_ =	shalt  }
0x4f: {  	_ =	shalt  }
0x50: {  	_ =	shalt  }
0x51: {  	_ =	shalt  }
0x52: {  	_ =	shalt  }
0x53: {  	_ =	shalt  }
0x54: {  	_ =	shalt  }
0x55: {  	_ =	shalt  }
0x56: {  	_ =	shalt  }
0x57: {  	_ =	shalt  }
0x58: {  	_ =	shalt  }
0x59: {  	_ =	shalt  }
0x5a: {  	_ =	shalt  }
0x5b: {  	_ =	shalt  }
0x5c: {  	_ =	shalt  }
0x5d: {  	_ =	shalt  }
0x5e: {  	_ =	shalt  }
0x5f: {  	_ =	shalt  }
0x60: {  	_ =	shalt  }
0x61: {  	_ =	shalt  }
0x62: {  	_ =	shalt  }
0x63: {  	_ =	shalt  }
0x64: {  	_ =	shalt  }
0x65: {  	_ =	shalt  }
0x66: {  	_ =	shalt  }
0x67: {  	_ =	shalt  }
0x68: {  	_ =	shalt  }
0x69: {  	_ =	shalt  }
0x6a: {  	_ =	shalt  }
0x6b: {  	_ =	shalt  }
0x6c: {  	_ =	shalt  }
0x6d: {  	_ =	shalt  }
0x6e: {  	_ =	shalt  }
0x6f: {  	_ =	shalt  }
0x70: {  	_ =	shalt  }
0x71: {  	_ =	shalt  }
0x72: {  	_ =	shalt  }
0x73: {  	_ =	shalt  }
0x74: {  	_ =	shalt  }
0x75: {  	_ =	shalt  }
0x76: {  	_ =	shalt  }
0x77: {  	_ =	shalt  }
0x78: {  	_ =	shalt  }
0x79: {  	_ =	shalt  }
0x7a: {  	_ =	shalt  }
0x7b: {  	_ =	shalt  }
0x7c: {  	_ =	shalt  }
0x7d: {  	_ =	shalt  }
0x7e: {  	_ =	shalt  }
0x7f: {  	_ =	shalt  }
0x80: {  	_ =	shalt  }
0x81: {  	_ =	shalt  }
0x82: {  	_ =	shalt  }
0x83: {  	_ =	shalt  }
0x84: {  	_ =	shalt  }
0x85: {  	_ =	shalt  }
0x86: {  	_ =	shalt  }
0x87: {  	_ =	shalt  }
.Lfunc_end0:
.L_simem_size_0:
called_computation_lowered:
.L_overlay_start_0:
0x88: {  	s2 =	sld [smem:$0x3FD9]  }
0x89: {  	s3 =	sld [smem:$0x3FFE];
	_ =	sdelay $0x1  }
0x8a: {  	s1 =	srdreg.scid  }
0x8b: {  	s0 =	sand.u32 $0x1, s1  }
0x8c: {  	s17 =	sshll.u32 s0, $0xA;
	s2 =	sadd.s32 s3, s2  }
0x8d: {  	s2 =	sadd.s32 s2, s17  }
0x8e: {  	[smem:$0x3FC5] =	sst s2  }
0x8f: {  	_ = 	snop  }
0x90: {  	s2 =	sld [smem:$0x3FD0];
	(tm) =	ssettm $0x1  }
0x91: {  	s18 =	sld [smem:$0x3FFB];
	_ =	sdelay $0x3  }
0x92: {  	_ =	strace s18  }
0x93: {  	s3 =	sld [smem:$0x3FFC];
	_ =	sdelay $0x3  }
0x94: {  	_ =	strace s3  }
0x95: {  	s3 =	sld [smem:$0x3FFD];
	_ =	sdelay $0x3  }
0x96: {  	_ =	strace s3  }
0x97: {  	_ =	strace $0x8FFFFFFF  }
0x98: {  	s19 =	sld [smem:$0x3FDB];
	_ =	sdelay $0x1  }
0x99: {  	s4 =	simm.s32 $_scs_section_size  }
0x9a: {  	s5 =	simm.s32 $_size__tile_overlayer_lowered;
	s6 =	simm.s32 $_tile_overlayer_lowered  }
0x9b: {  	s22 =	simm.s32 $0x1BFF;
	s21 =	sshll.u32 s6, $0x1;
	s3 =	sadd.s32 s4, s19  }
0x9c: {  	s7 =	simm.s32 $0x0;
	s20 =	sshll.u32 s5, $0x1;
	s5 =	sadd.s32 s21, s3  }
0x9d: {  	[timem:s7], [sflag:s22] =	dma.local [hbm:s5], s20  }
0x9e: {  	_ =	swait.ge [sflag:s22], s20  }
0x9f: {  	s4 =	ssub.s32 $0x0, s20;
	[sflag:s22] =	ssyncset.done $0x0  }
0xa0: {  	[sflag:s22] =	ssyncadd.s32 s4;
	_ =	sdelay $0x1  }
0xa1: {  	s23 =	simm.s32 $0x1B8B  }
0xa2: {  	_ =	swait.ge [sflag:s23], $0x1  }
0xa3: {  	[sflag:s23] =	ssyncset.done $0x0  }
0xa4: {  	s25 =	simm.s32 $0x1B8E;
	s24 =	sld [smem:$0x3FFE];
	[sflag:s23] =	ssyncadd.s32 $0xFFFFFFFF  }
0xa5: {  	s26 =	simm.s32 $execute0_lowered;
	[smem:$0x3FD2] =	sst s25  }
0xa6: {  	s5 =	sshll.u32 s26, $0x1;
	_ =	strace $0x80000046;
	[dreg:$0x1] =	wrdreg $0xFFFFFFFF  }
0xa7: {  	s28 =	simm.s32 $_size_execute0_lowered;
	s3 =	sadd.s32 s3, s5;
	[dreg:$0x0] =	wrdreg $0x0  }
0xa8: {  	s5 =	sshll.u32 s28, $0x1;
	[dreg:$0x2] =	wrdreg s3  }
0xa9: {  	[dreg:$0x3] =	wrdreg s5  }
0xaa: {  	[dreg:$0x4] =	wrdreg $0xC0  }
0xab: {  	_ =	task [dreg:s7], $0x5FFFF  }
0xac: {  	[dreg:$0x1] =	wrdreg $0xFFFFFFFF  }
0xad: {  	[dreg:$0x0] =	wrdreg $0x60  }
0xae: {  	[dreg:$0x2] =	wrdreg s24  }
0xaf: {  	[dreg:$0x3] =	wrdreg s2  }
0xb0: {  	[dreg:$0x4] =	wrdreg $0x9  }
0xb1: {  	_ =	task.clear_ibuf [dreg:s7], $0x5FFFF;
	_ =	strace $0x90000046  }
0xb2: {  	s29 =	simm.s32 $0x9;
	_ =	strace $0x80000048  }
0xb3: {  	_ =	swait.ge [sflag:s29], $0x1  }
0xb4: {  	[sflag:s29] =	ssyncadd.s32 $0xFFFFFFFF  }
0xb5: {  	_ =	strace $0x90000048  }
0xb6: {  	_ =	sfence  }
0xb7: {  	s30 =	sld [smem:$0x0];
	_ =	sdelay $0x2  }
0xb8: {  	s31 =	sshll.u32 s1, $0xD;
	s1 =	sshrl.u32 s1, $0x2  }
0xb9: {  	s3 =	sand.u32 $0x4000, s31;
	s1 =	sadd.s32 s1, s30  }
0xba: {  	s0 =	sor.u32 s3, s0;
	s1 =	sshll.u32 s1, $0x11  }
0xbb: {  	s0 =	sor.u32 s1, s0  }
0xbc: {  	s0 =	sadd.s32 $0x8F2B, s0  }
0xbd: {  	[sflag:s0] =	ssyncadd.remote.s32 $0x1  }
0xbe: {  	_ =	sfence.sel $0xFFFF  }
0xbf: {  	[dreg:$0x0] =	wrdreg $0xFFFFFFFF;
	(pc) =	sbr.abs _section_cstart, $3  }
0xc0: {  	[dreg:$0x1] =	wrdreg $0xFFFFFFFF  }
0xc1: {  	_ =	task.clear_ibuf [dreg:s7], $0x2FFFF;
	_ =	strace $0x9FFFFFFF  }
0xc2: {  	(tm) =	ssettm $0x7FFFFFFF  }
0xc3: {  	_ =	shalt  }
tec
execute0_lowered:
.L_overlay_start_1:
0x0: {  	(tag) =	ssettag $0x1  }
0x1: {  	s0 =	rddreg [dreg:$0x0]  }
0x2: {  	s2 =	rddreg [dreg:$0x1];
	s3 =	simm.s32 $0x0;
	v10 =	vlaneseq.u32  }
0x3: {  	s1 =	srdreg.scid;
	[smem:$0x7FF] =	sst s3;
	v50 =	vor.u32 $0x70, v10  }
0x4: {  	s4 =	stileid.u32;
	s16 =	simm.s32 $0x6400;
	v2 =	vor.u32 $0x30, v10;
	_ =	strace $0x80000047;
	[tilespmem:$0x1FF40] =	vst v50  }
0x5: {  	s20 =	simm.s32 $0x9600;
	s21 =	simm.s32 $0xB600;
	s22 =	simm.s32 $0x1;
	v7 =	vor.u32 $0x50, v10;
	[tilespmem:$0x1FF60] =	vst v2  }
0x6: {  	s23 =	simm.s32 $0xD600;
	s15 =	simm.s32 $0x10600;
	s18 =	simm.s32 $0x10A00;
	v13 =	vmul.u32 $0x40, v10;
	v5 =	vor.u32 $0x40, v10;
	[tilespmem:$0x1FF70] =	vst v7  }
0x7: {  	s17 =	simm.s32 $0x10E00;
	s24 =	simm.s32 $0x11200;
	s26 =	simm.s32 $0x0;
	v1 =	vor.u32 $0x10, v10;
	[tilespmem:$0x1FFB0] =	vst v5  }
0x8: {  	s1 =	sand.u32 $0x1, s1;
	s4 =	sshll.u32 s4, $0x1;
	s8 =	sadd.s32 $0x1000, s2;
	[tilespmem:$0x1FFC0] =	vst v1;
	v0 =	vor.u32 $0x1800, v13  }
0x9: {  	s9 =	sadd.s32 $0x2000, s2;
	s10 =	sadd.s32 $0x3000, s2;
	s11 =	sadd.s32 $0x4000, s2;
	v9 =	vor.u32 $0x1C00, v13;
	[tilespmem:$0x1FF30] =	vst v0  }
0xa: {  	s12 =	sadd.s32 $0x5000, s2;
	s13 =	sadd.s32 $0x6000, s2;
	s5 =	sor.u32 s1, s4;
	v3 =	vor.u32 $0x1000, v13;
	[tilespmem:$0x1FF80] =	vst v9  }
0xb: {  	s14 =	sadd.s32 $0x7000, s2;
	s1 =	ssub.s32 $0x2, s1;
	s4 =	sshll.u32 s5, $0x4;
	v6 =	vor.u32 $0x1400, v13;
	[tilespmem:$0x1FF90] =	vst v3  }
0xc: {  	s7 =	sshrl.u32 s1, $0x1;
	v4 =	vor.u32 $0x800, v13;
	s6 =	sadd.s32 s4, s0;
	s4 =	sadd.s32 $0xF42C00, s0;
	[tilespmem:$0x1FFA0] =	vst v6  }
0xd: {  	v8 =	vor.u32 $0x400, v13;
	s0 =	sadd.s32 $0x19800, s0;
	s30 =	ssub.s32 s1, s7;
	s7 =	sshll.u32 s5, $0xA;
	[tilespmem:$0x1FFD0] =	vst v4  }
0xe: {  	v15 =	vor.u32 $0xC00, v13;
	s1 =	simm.s32 $0xF600;
	[tilespmem:$0x1FFE0] =	vst v8;
	[dreg:$0x3] =	wrdreg s0;
	s31 =	sadd.s32 $0x800, s6  }
0xf: {  	s5 =	simm.s32 $0xFE00;
	v0 =	vor.u32 $0x60, v10;
	[tilespmem:$0x1FFF0] =	vst v15;
	s0 =	smax.u32 s30, $0x1;
	[dreg:$0x4] =	wrdreg s31  }
0x10: {  	v14 =	vor.u32 $0x20, v10;
	s6 =	simm.s32 $0x10200;
	[tilespmem:$0x1FF50] =	vst v0;
	[dreg:$0x5] =	wrdreg s0;
	s0 =	simm.s32 $0x2  }
.LBB2_1:
0x11: {  	[dreg:$0x6] =	wrdreg s26  }
0x12: {  	s19 =	rddreg [dreg:$0x3];
	s25 =	simm.s32 $0x5  }
0x13: {  	[tilespmem:s16], [sflag:$0x5] =	stream.linear.gather [hbm4b:s19+s3], $0x3200, $0x38;
	[tilespmem:$0x11600] =	vst v63  }
0x14: {  	_ =	swait.ge [sflag:s25], $0x3200  }
0x15: {  	s31 =	simm.s32 $0x80;
	[sflag:s25] =	ssyncset.done $0x0  }
0x16: {  	s28 =	simm.s32 $0x1000;
	s30 =	rddreg [dreg:$0x4];
	[sflag:s25] =	ssyncadd.s32 $0xFFFFCE00  }
0x17: {  	[tilespmem:s3], [sflag:$0x5] =	stream.strided.gather [hbm4b:s30+s31], $0x6400, s28, s31, $0x38;
	[tilespmem:$0x11600] =	vst v63  }
0x18: {  	_ =	swait.ge [sflag:s25], $0x6400  }
0x19: {  	[sflag:s25] =	ssyncset.done $0x0  }
0x1a: {  	[sflag:s25] =	ssyncadd.s32 $0xFFFF9C00  }
0x1b: {  	[tilespmem:s20], [sflag:$0x1] =	stream.indirect.gather [hbm4b:s4+s31], $0x40, s3, s31, $0xb8;
	[tilespmem:$0x11600] =	vst v63  }
0x1c: {  	s25 =	simm.s32 $0x0  }
0x1d: {  	[tilespmem:s21], [sflag:$0x2] =	stream.indirect.gather [hbm4b:s4+s31], $0x40, s31, s31, $0xb8;
	[tilespmem:$0x11600] =	vst v63  }
.LBB2_2:
0x1e: {  	_ =	swait.ge [sflag:s22], $0x2000  }
0x1f: {  	p0 =	seq.s32 s25, $0x0;
	[sflag:s22] =	ssyncset.done $0x0  }
0x20: {  	s28 =	simm.s32 @!p0 $0x3;
	[sflag:s22] =	ssyncadd.s32 $0xFFFFE000  }
0x21: {  	_ =	swait.ge @!p0 [sflag:s28], $0x400  }
0x22: {  	[sflag:s28] =	ssyncset.done @!p0 $0x0  }
0x23: {  	[sflag:s28] =	ssyncadd.s32 @!p0 $0xFFFFFC00  }
0x24: {  	_ =	swait.ge @!p0 [sflag:s28], $0x400  }
0x25: {  	[sflag:s28] =	ssyncset.done @!p0 $0x0  }
0x26: {  	[sflag:s28] =	ssyncadd.s32 @!p0 $0xFFFFFC00  }
0x27: {  	_ =	swait.ge @!p0 [sflag:s28], $0x400  }
0x28: {  	[sflag:s28] =	ssyncset.done @!p0 $0x0  }
0x29: {  	[sflag:s28] =	ssyncadd.s32 @!p0 $0xFFFFFC00  }
0x2a: {  	_ =	swait.ge @!p0 [sflag:s28], $0x400  }
0x2b: {  	[sflag:s28] =	ssyncset.done @!p0 $0x0  }
0x2c: {  	[sflag:s28] =	ssyncadd.s32 @!p0 $0xFFFFFC00  }
0x2d: {  	_ =	swait.ge @!p0 [sflag:s28], $0x400  }
0x2e: {  	[sflag:s28] =	ssyncset.done @!p0 $0x0  }
0x2f: {  	[sflag:s28] =	ssyncadd.s32 @!p0 $0xFFFFFC00  }
0x30: {  	_ =	swait.ge @!p0 [sflag:s28], $0x400  }
0x31: {  	s29 =	simm.s32 $0x0;
	[sflag:s28] =	ssyncset.done @!p0 $0x0  }
0x32: {  	s26 =	sshll.u32 s25, $0x1;
	v0 =	vadd.s32 s29, v10;
	[sflag:s28] =	ssyncadd.s32 @!p0 $0xFFFFFC00  }
0x33: {  	s31 =	sshll.u32 s26, $0x6;
	v18 =	vand.u32 $0x3F, v0;
	_ =	swait.ge @!p0 [sflag:s28], $0x400  }
0x34: {  	v12 =	vmov s31;
	v16 =	vor.u32 v13, v18;
	[sflag:s28] =	ssyncset.done @!p0 $0x0  }
0x35: {  	v17 =	vor.u32 v12, v18;
	[sflag:s28] =	ssyncadd.s32 @!p0 $0xFFFFFC00  }
0x36: {  	s30 =	simm.s32 $0x2;
	_ =	swait.ge @!p0 [sflag:s28], $0x400  }
0x37: {  	v21 =	vadd.s32 s30, v10;
	[sflag:s28] =	ssyncset.done @!p0 $0x0  }
0x38: {  	v24 =	vand.u32 $0x3F, v21;
	[sflag:s28] =	ssyncadd.s32 @!p0 $0xFFFFFC00;
	s28 =	simm.s32 $0x3  }
0x39: {  	v20 =	vor.u32 v12, v24;
	v25 =	vadd.s32 s28, v10;
	v27 =	vld.idx.msk [tilespmem:v16+s20+$0x0], $0xffff  }
0x3a: {  	v0 =	vshll.u32 v0, $0x7;
	v28 =	vor.u32 v13, v24;
	v16 =	vld.idx.msk [tilespmem:v17+s16+$0x0], $0xffff;
	v29 =	vand.u32 $0x3F, v25  }
0x3b: {  	s19 =	simm.s32 $0x1;
	v23 =	vand.u32 $0x1F80, v0;
	v0 =	vor.u32 v13, v29  }
0x3c: {  	v22 =	vadd.s32 s19, v10;
	v30 =	vor.u32 v10, v23;
	v17 =	vor.u32 v12, v29  }
0x3d: {  	v26 =	vand.u32 $0x3F, v22;
	v31 =	vor.u32 v8, v18  }
0x3e: {  	v19 =	vor.u32 v12, v26;
	v20 =	vld.idx.msk [tilespmem:v20+s16+$0x0], $0xffff  }
0x3f: {  	v32 =	vor.u32 v13, v26;
	v28 =	vld.idx.msk [tilespmem:v28+s20+$0x0], $0xffff;
	v27 =	vadd.f32 v27, v16  }
0x40: {  	v21 =	vshll.u32 v21, $0x7;
	v0 =	vld.idx.msk [tilespmem:v0+s20+$0x0], $0xffff  }
0x41: {  	v37 =	vand.u32 $0x1F80, v21;
	v25 =	vshll.u32 v25, $0x7;
	v17 =	vld.idx.msk [tilespmem:v17+s16+$0x0], $0xffff;
	[tilespmem:v30+s23+$0x0] =	vst.idx.msk $0xffff, v27  }
0x42: {  	v21 =	vand.u32 $0x1F80, v25;
	v25 =	vor.u32 v10, v37;
	v27 =	vld.idx.msk [tilespmem:v31+s20+$0x0], $0xffff  }
0x43: {  	v22 =	vshll.u32 v22, $0x7;
	v19 =	vld.idx.msk [tilespmem:v19+s16+$0x0], $0xffff;
	v52 =	vor.u32 v10, v21;
	v31 =	vor.u32 v8, v24  }
0x44: {  	v38 =	vand.u32 $0x1F80, v22;
	v33 =	vor.u32 v1, v23;
	v22 =	vor.u32 v8, v29;
	v30 =	vld.idx.msk [tilespmem:v32+s20+$0x0], $0xffff  }
0x45: {  	v35 =	vor.u32 v4, v18;
	v28 =	vadd.f32 v28, v20  }
0x46: {  	v34 =	vor.u32 v10, v38;
	v0 =	vadd.f32 v0, v17  }
0x47: {  	v36 =	vor.u32 v8, v26;
	[tilespmem:v25+s23+$0x0] =	vst.idx.msk $0xffff, v28;
	v25 =	vadd.f32 v27, v16  }
0x48: {  	v28 =	vld.idx.msk [tilespmem:v31+s20+$0x0], $0xffff;
	[tilespmem:v52+s23+$0x0] =	vst.idx.msk $0xffff, v0  }
0x49: {  	v27 =	vadd.f32 v30, v19;
	v0 =	vld.idx.msk [tilespmem:v22+s20+$0x0], $0xffff;
	[tilespmem:v33+s23+$0x0] =	vst.idx.msk $0xffff, v25  }
0x4a: {  	v22 =	vor.u32 v1, v37;
	v25 =	vld.idx.msk [tilespmem:v35+s20+$0x0], $0xffff  }
0x4b: {  	v31 =	vor.u32 v1, v21;
	[tilespmem:v34+s23+$0x0] =	vst.idx.msk $0xffff, v27  }
0x4c: {  	v54 =	vor.u32 v14, v23;
	v30 =	vor.u32 v4, v24;
	v27 =	vld.idx.msk [tilespmem:v36+s20+$0x0], $0xffff  }
0x4d: {  	v53 =	vor.u32 v4, v29;
	v28 =	vadd.f32 v28, v20  }
0x4e: {  	v56 =	vor.u32 v15, v18;
	v55 =	vor.u32 v1, v38;
	v0 =	vadd.f32 v0, v17  }
0x4f: {  	v57 =	vor.u32 v4, v26;
	[tilespmem:v22+s23+$0x0] =	vst.idx.msk $0xffff, v28;
	v22 =	vadd.f32 v25, v16  }
0x50: {  	[tilespmem:v31+s23+$0x0] =	vst.idx.msk $0xffff, v0  }
0x51: {  	v11 =	vor.u32 v50, v23;
	v25 =	vadd.f32 v27, v19;
	v27 =	vld.idx.msk [tilespmem:v30+s20+$0x0], $0xffff;
	[tilespmem:v54+s23+$0x0] =	vst.idx.msk $0xffff, v22  }
0x52: {  	v0 =	vld.idx.msk [tilespmem:v53+s20+$0x0], $0xffff;
	[tilespmem:$0x1FF00] =	vst v11  }
0x53: {  	v28 =	vld.idx.msk [tilespmem:v56+s20+$0x0], $0xffff;
	[tilespmem:v55+s23+$0x0] =	vst.idx.msk $0xffff, v25;
	v25 =	vor.u32 v14, v37  }
0x54: {  	v42 =	vor.u32 v14, v21;
	v31 =	vld.idx.msk [tilespmem:v57+s20+$0x0], $0xffff  }
0x55: {  	v59 =	vor.u32 v2, v23  }
0x56: {  	v58 =	vor.u32 v15, v24;
	v40 =	vor.u32 v14, v38;
	v27 =	vadd.f32 v27, v20  }
0x57: {  	v0 =	vadd.f32 v0, v17  }
0x58: {  	v28 =	vadd.f32 v28, v16;
	[tilespmem:v25+s23+$0x0] =	vst.idx.msk $0xffff, v27  }
0x59: {  	[tilespmem:v42+s23+$0x0] =	vst.idx.msk $0xffff, v0;
	v25 =	vadd.f32 v31, v19  }
0x5a: {  	[tilespmem:v59+s23+$0x0] =	vst.idx.msk $0xffff, v28  }
0x5b: {  	v60 =	vor.u32 v3, v18;
	v45 =	vor.u32 v15, v29;
	v31 =	vld.idx.msk [tilespmem:v58+s20+$0x0], $0xffff;
	[tilespmem:v40+s23+$0x0] =	vst.idx.msk $0xffff, v25  }
0x5c: {  	v43 =	vor.u32 v2, v38;
	v61 =	vor.u32 v2, v37;
	s28 =	simm.s32 $0x5;
	v44 =	vor.u32 v2, v21;
	v2 =	vld [tilespmem:$0x1FF40]  }
0x5d: {  	v41 =	vor.u32 v15, v26;
	v27 =	vadd.s32 s28, v10;
	s28 =	simm.s32 $0x4  }
0x5e: {  	s31 =	simm.s32 $0x6;
	v39 =	vand.u32 $0x3F, v27;
	v28 =	vadd.s32 s28, v10  }
0x5f: {  	v46 =	vadd.s32 s31, v10;
	v62 =	vor.u32 v12, v39;
	v25 =	vshll.u32 v28, $0x7  }
0x60: {  	v54 =	vld.idx.msk [tilespmem:v45+s20+$0x0], $0xffff;
	v51 =	vor.u32 v13, v39;
	v40 =	vand.u32 $0x3F, v28;
	v42 =	vand.u32 $0x1F80, v25  }
0x61: {  	v49 =	vld.idx.msk [tilespmem:v60+s20+$0x0], $0xffff;
	v52 =	vor.u32 v13, v40;
	v31 =	vadd.f32 v31, v20;
	v2 =	vor.u32 v2, v42  }
0x62: {  	v36 =	vand.u32 $0x3F, v46;
	v41 =	vld.idx.msk [tilespmem:v41+s20+$0x0], $0xffff;
	v55 =	vor.u32 v12, v40;
	[tilespmem:$0x1FF10] =	vst v2  }
0x63: {  	v0 =	vor.u32 v12, v36;
	s28 =	simm.s32 $0x7;
	[tilespmem:v61+s23+$0x0] =	vst.idx.msk $0xffff, v31  }
0x64: {  	v53 =	vor.u32 v13, v36;
	v63 =	vadd.s32 s28, v10;
	v28 =	vld.idx.msk [tilespmem:v62+s16+$0x0], $0xffff;
	[tilespmem:$0x1FF20] =	vst v12  }
0x65: {  	v30 =	vor.u32 v3, v26;
	v35 =	vand.u32 $0x3F, v63;
	v56 =	vld.idx.msk [tilespmem:v51+s20+$0x0], $0xffff  }
0x66: {  	v32 =	vor.u32 v5, v23;
	v57 =	vshll.u32 v27, $0x7;
	v58 =	vor.u32 v13, v35;
	v52 =	vld.idx.msk [tilespmem:v52+s20+$0x0], $0xffff  }
0x67: {  	v27 =	vshll.u32 v63, $0x7;
	v11 =	vor.u32 v12, v35;
	v31 =	vadd.f32 v41, v19;
	v34 =	vld.idx.msk [tilespmem:v55+s16+$0x0], $0xffff  }
0x68: {  	v45 =	vand.u32 $0x1F80, v27;
	v63 =	vadd.f32 v54, v17;
	v54 =	vor.u32 v3, v24;
	v27 =	vld.idx.msk [tilespmem:v0+s16+$0x0], $0xffff  }
0x69: {  	[tilespmem:v43+s23+$0x0] =	vst.idx.msk $0xffff, v31;
	v53 =	vld.idx.msk [tilespmem:v53+s20+$0x0], $0xffff  }
0x6a: {  	v60 =	vor.u32 v3, v29;
	v49 =	vadd.f32 v49, v16;
	v55 =	vld.idx.msk [tilespmem:v30+s20+$0x0], $0xffff  }
0x6b: {  	[tilespmem:v44+s23+$0x0] =	vst.idx.msk $0xffff, v63;
	v0 =	vor.u32 v10, v42;
	v44 =	vor.u32 v6, v18;
	v58 =	vld.idx.msk [tilespmem:v58+s20+$0x0], $0xffff  }
0x6c: {  	v46 =	vshll.u32 v46, $0x7;
	[tilespmem:v32+s23+$0x0] =	vst.idx.msk $0xffff, v49;
	v49 =	vld.idx.msk [tilespmem:v11+s16+$0x0], $0xffff;
	v30 =	vand.u32 $0x1F80, v57;
	v57 =	vor.u32 v5, v38  }
0x6d: {  	v50 =	vor.u32 v8, v40;
	v31 =	vand.u32 $0x1F80, v46;
	v54 =	vld.idx.msk [tilespmem:v54+s20+$0x0], $0xffff  }
0x6e: {  	v2 =	vld [tilespmem:$0x1FF40];
	v11 =	vadd.f32 v52, v34;
	v52 =	vor.u32 v10, v31  }
0x6f: {  	v62 =	vor.u32 v6, v26;
	v22 =	vld [tilespmem:$0x1FF30];
	v59 =	vor.u32 v10, v30;
	v55 =	vadd.f32 v55, v19  }
0x70: {  	v46 =	vor.u32 v8, v39;
	v44 =	vld.idx.msk [tilespmem:v44+s20+$0x0], $0xffff;
	[tilespmem:v0+s23+$0x0] =	vst.idx.msk $0xffff, v11;
	v0 =	vor.u32 v10, v45  }
0x71: {  	v53 =	vadd.f32 v53, v27;
	v11 =	vor.u32 v5, v37;
	[tilespmem:v57+s23+$0x0] =	vst.idx.msk $0xffff, v55;
	v57 =	vld.idx.msk [tilespmem:v60+s20+$0x0], $0xffff  }
0x72: {  	v56 =	vadd.f32 v56, v28;
	v58 =	vadd.f32 v58, v49;
	v55 =	vor.u32 v7, v23;
	v50 =	vld.idx.msk [tilespmem:v50+s20+$0x0], $0xffff  }
0x73: {  	v54 =	vadd.f32 v54, v20;
	[tilespmem:v52+s23+$0x0] =	vst.idx.msk $0xffff, v53;
	v52 =	vor.u32 v5, v21  }
0x74: {  	[tilespmem:v59+s23+$0x0] =	vst.idx.msk $0xffff, v56;
	v56 =	vor.u32 v8, v36;
	v10 =	vor.u32 v1, v42  }
0x75: {  	v47 =	vor.u32 v7, v37;
	v44 =	vadd.f32 v44, v16;
	[tilespmem:v0+s23+$0x0] =	vst.idx.msk $0xffff, v58  }
0x76: {  	v59 =	vor.u32 v8, v35;
	[tilespmem:v11+s23+$0x0] =	vst.idx.msk $0xffff, v54;
	v11 =	vadd.f32 v57, v17  }
0x77: {  	v8 =	vor.u32 v6, v24;
	v63 =	vld.idx.msk [tilespmem:v46+s20+$0x0], $0xffff;
	[tilespmem:v55+s23+$0x0] =	vst.idx.msk $0xffff, v44;
	v50 =	vadd.f32 v50, v34  }
0x78: {  	v32 =	vor.u32 v2, v21;
	v2 =	vor.u32 v22, v18;
	v62 =	vld.idx.msk [tilespmem:v62+s20+$0x0], $0xffff;
	[tilespmem:v52+s23+$0x0] =	vst.idx.msk $0xffff, v11  }
0x79: {  	v48 =	vor.u32 v7, v38;
	v3 =	vor.u32 v6, v29;
	v5 =	vld.idx.msk [tilespmem:v56+s20+$0x0], $0xffff;
	[tilespmem:v10+s23+$0x0] =	vst.idx.msk $0xffff, v50  }
0x7a: {  	v33 =	vor.u32 v7, v21;
	v41 =	vor.u32 v9, v24;
	v61 =	vor.u32 v4, v40;
	v50 =	vld [tilespmem:$0x1FF40]  }
0x7b: {  	v51 =	vor.u32 v4, v35;
	v43 =	vor.u32 v7, v45;
	v46 =	vor.u32 v9, v29;
	v59 =	vld.idx.msk [tilespmem:v59+s20+$0x0], $0xffff  }
0x7c: {  	v60 =	vor.u32 v1, v31;
	v56 =	vor.u32 v1, v30;
	v44 =	vor.u32 v7, v31;
	v55 =	vld.idx.msk [tilespmem:v8+s20+$0x0], $0xffff  }
0x7d: {  	v57 =	vor.u32 v22, v26;
	v58 =	vadd.f32 v63, v28;
	v0 =	vadd.f32 v62, v19;
	v53 =	vld.idx.msk [tilespmem:v2+s20+$0x0], $0xffff  }
0x7e: {  	v63 =	vor.u32 v1, v45;
	v62 =	vor.u32 v4, v36;
	v52 =	vor.u32 v9, v26;
	v54 =	vld.idx.msk [tilespmem:v3+s20+$0x0], $0xffff  }
0x7f: {  	s28 =	simm.s32 $0x8;
	[tilespmem:v48+s23+$0x0] =	vst.idx.msk $0xffff, v0;
	v61 =	vld.idx.msk [tilespmem:v61+s20+$0x0], $0xffff;
	v0 =	vadd.f32 v5, v27;
	v48 =	vor.u32 v50, v37  }
.LBB2_3:
0x80: {  	v5 =	vld [tilespmem:$0x1FF50]  }
0x81: {  	v25 =	vld [tilespmem:$0x1FF80];
	_ =	sdelay $0x1  }
0x82: {  	v2 =	vor.u32 v50, v38;
	v9 =	vor.u32 v22, v24  }
0x83: {  	v29 =	vor.u32 v22, v29;
	v10 =	vor.u32 v14, v42;
	v6 =	vld [tilespmem:$0x1FF90];
	[tilespmem:v60+s23+$0x0] =	vst.idx.msk $0xffff, v0  }
0x84: {  	v24 =	vmovc v36;
	v0 =	vld.idx.msk [tilespmem:v57+s20+$0x0], $0xffff;
	v3 =	vor.u32 v5, v21;
	v21 =	vmovc v45;
	v45 =	vmov v17;
	v17 =	vmov v49  }
0x85: {  	v7 =	vld [tilespmem:$0x1FF10];
	v55 =	vadd.f32 v55, v20;
	v1 =	vor.u32 v25, v18;
	v18 =	vmovc v40;
	v11 =	vadd.f32 v59, v17  }
0x86: {  	v49 =	vld.idx.msk [tilespmem:v62+s20+$0x0], $0xffff;
	v60 =	vor.u32 v5, v23;
	v36 =	vor.u32 v5, v38;
	v57 =	vadd.f32 v54, v45  }
0x87: {  	v50 =	vmov v39;
	v37 =	vor.u32 v5, v37;
	v5 =	vld [tilespmem:$0x1FF60];
	v59 =	vor.u32 v15, v18;
	[tilespmem:v63+s23+$0x0] =	vst.idx.msk $0xffff, v11  }
0x88: {  	v63 =	vor.u32 v4, v50;
	v51 =	vld.idx.msk [tilespmem:v51+s20+$0x0], $0xffff;
	[tilespmem:v33+s23+$0x0] =	vst.idx.msk $0xffff, v57  }
0x89: {  	v62 =	vadd.f32 v61, v34;
	[tilespmem:v47+s23+$0x0] =	vst.idx.msk $0xffff, v55;
	v33 =	vld.idx.msk [tilespmem:v29+s20+$0x0], $0xffff  }
0x8a: {  	[tilespmem:v56+s23+$0x0] =	vst.idx.msk $0xffff, v58;
	v53 =	vadd.f32 v53, v16;
	v39 =	vld.idx.msk [tilespmem:v9+s20+$0x0], $0xffff  }
0x8b: {  	v23 =	vmov v42;
	v0 =	vadd.f32 v0, v19;
	[tilespmem:v10+s23+$0x0] =	vst.idx.msk $0xffff, v62;
	v9 =	vld [tilespmem:$0x1FFB0];
	v10 =	vor.u32 v14, v31  }
0x8c: {  	v11 =	vor.u32 v15, v24;
	v8 =	vadd.f32 v49, v27;
	v40 =	vld.idx.msk [tilespmem:v59+s20+$0x0], $0xffff;
	[tilespmem:v60+s23+$0x0] =	vst.idx.msk $0xffff, v53  }
0x8d: {  	v56 =	vor.u32 v5, v30;
	v57 =	vor.u32 v5, v21;
	v54 =	vld.idx.msk [tilespmem:v63+s20+$0x0], $0xffff;
	[tilespmem:v36+s23+$0x0] =	vst.idx.msk $0xffff, v0  }
0x8e: {  	v0 =	vor.u32 v5, v23;
	v62 =	vadd.f32 v33, v45;
	v33 =	vmovc v43;
	v43 =	vor.u32 v5, v31;
	v5 =	vld [tilespmem:$0x1FF00]  }
0x8f: {  	v58 =	vor.u32 v6, v18;
	v59 =	vor.u32 v14, v21;
	v1 =	vld.idx.msk [tilespmem:v1+s20+$0x0], $0xffff;
	v61 =	vadd.f32 v39, v20  }
0x90: {  	v29 =	vmov v35;
	v60 =	vor.u32 v15, v35;
	v35 =	vor.u32 v14, v30;
	[tilespmem:v10+s23+$0x0] =	vst.idx.msk $0xffff, v8;
	v10 =	vld [tilespmem:$0x1FF20]  }
0x91: {  	v53 =	vor.u32 v15, v50;
	v42 =	vld.idx.msk [tilespmem:v11+s20+$0x0], $0xffff;
	[tilespmem:v37+s23+$0x0] =	vst.idx.msk $0xffff, v61;
	v40 =	vadd.f32 v40, v34  }
0x92: {  	s29 =	smov.u32 s28;
	v51 =	vadd.f32 v51, v17;
	v52 =	vld.idx.msk [tilespmem:v52+s20+$0x0], $0xffff;
	[tilespmem:v3+s23+$0x0] =	vst.idx.msk $0xffff, v62  }
0x93: {  	s30 =	sadd.s32 $0x1, s29;
	v8 =	vlaneseq.u32;
	v41 =	vld.idx.msk [tilespmem:v41+s20+$0x0], $0xffff;
	[tilespmem:v0+s23+$0x0] =	vst.idx.msk $0xffff, v40;
	v0 =	vadd.f32 v54, v28  }
0x94: {  	s31 =	sadd.s32 $0x2, s29;
	v1 =	vadd.f32 v1, v16;
	v3 =	vadd.s32 s30, v8;
	v46 =	vld.idx.msk [tilespmem:v46+s20+$0x0], $0xffff;
	[tilespmem:v59+s23+$0x0] =	vst.idx.msk $0xffff, v51  }
0x95: {  	v63 =	vadd.s32 s29, v8;
	v16 =	vmovc v34;
	v34 =	vadd.s32 s31, v8;
	v39 =	vand.u32 $0x3F, v3;
	v49 =	vld.idx.msk [tilespmem:v58+s20+$0x0], $0xffff;
	[tilespmem:v35+s23+$0x0] =	vst.idx.msk $0xffff, v0  }
0x96: {  	v36 =	vand.u32 $0x3F, v34;
	v61 =	vor.u32 v10, v39;
	v37 =	vld.idx.msk [tilespmem:v53+s20+$0x0], $0xffff;
	[tilespmem:v5+s23+$0x0] =	vst.idx.msk $0xffff, v1;
	v5 =	vmov v7  }
0x97: {  	v40 =	vand.u32 $0x3F, v63;
	v51 =	vadd.f32 v52, v19;
	v0 =	vor.u32 v10, v36;
	[tilespmem:$0x1FF00] =	vst v5;
	v5 =	vld [tilespmem:$0x1FF40]  }
0x98: {  	v54 =	vor.u32 v13, v39;
	v19 =	vmovc v28;
	v28 =	vshll.u32 v63, $0x7;
	v63 =	vadd.f32 v42, v27  }
0x99: {  	[tilespmem:v2+s23+$0x0] =	vst.idx.msk $0xffff, v51;
	v1 =	vadd.f32 v41, v20  }
0x9a: {  	v38 =	vor.u32 v9, v23;
	[tilespmem:v43+s23+$0x0] =	vst.idx.msk $0xffff, v63  }
0x9b: {  	v42 =	vand.u32 $0x1F80, v28;
	v28 =	vld.idx.msk [tilespmem:v61+s16+$0x0], $0xffff;
	[tilespmem:v48+s23+$0x0] =	vst.idx.msk $0xffff, v1  }
0x9c: {  	v20 =	vmov v27;
	v27 =	vld.idx.msk [tilespmem:v0+s16+$0x0], $0xffff;
	v0 =	vadd.f32 v37, v19;
	v5 =	vor.u32 v5, v42  }
0x9d: {  	v1 =	vld.idx.msk [tilespmem:v54+s20+$0x0], $0xffff;
	[tilespmem:$0x1FF10] =	vst v5;
	v5 =	vadd.f32 v49, v16  }
0x9e: {  	v55 =	vor.u32 v13, v36;
	[tilespmem:v56+s23+$0x0] =	vst.idx.msk $0xffff, v0;
	v0 =	vld [tilespmem:$0x1FF40]  }
0x9f: {  	v11 =	vor.u32 v13, v40;
	[tilespmem:v38+s23+$0x0] =	vst.idx.msk $0xffff, v5;
	v5 =	vld [tilespmem:$0x1FFA0];
	_ =	sdelay $0x1  }
0xa0: {  	v59 =	vld.idx.msk [tilespmem:v60+s20+$0x0], $0xffff  }
0xa1: {  	s29 =	sadd.s32 $0x3, s29;
	v41 =	vor.u32 v10, v40;
	v60 =	vadd.f32 v46, v45  }
0xa2: {  	v47 =	vor.u32 v6, v50;
	v62 =	vadd.s32 s29, v8;
	v3 =	vshll.u32 v3, $0x7;
	v54 =	vld.idx.msk [tilespmem:v55+s20+$0x0], $0xffff  }
0xa3: {  	[tilespmem:v32+s23+$0x0] =	vst.idx.msk $0xffff, v60;
	v48 =	vld.idx.msk [tilespmem:v11+s20+$0x0], $0xffff;
	v32 =	vor.u32 v0, v21;
	v0 =	vor.u32 v5, v18  }
0xa4: {  	v58 =	vor.u32 v22, v18;
	v12 =	vor.u32 v4, v40;
	v35 =	vand.u32 $0x3F, v62;
	v11 =	vld [tilespmem:$0x1FFE0]  }
0xa5: {  	v53 =	vor.u32 v6, v24;
	v63 =	vadd.f32 v59, v17;
	v49 =	vor.u32 v10, v35;
	v10 =	vld [tilespmem:$0x1FF70]  }
0xa6: {  	v62 =	vshll.u32 v62, $0x7;
	v2 =	vshll.u32 v34, $0x7;
	v61 =	vor.u32 v13, v35;
	v34 =	vld.idx.msk [tilespmem:v41+s16+$0x0], $0xffff  }
0xa7: {  	v51 =	vor.u32 v4, v35;
	v46 =	vor.u32 v25, v29;
	[tilespmem:v57+s23+$0x0] =	vst.idx.msk $0xffff, v63;
	v47 =	vld.idx.msk [tilespmem:v47+s20+$0x0], $0xffff  }
0xa8: {  	v45 =	vand.u32 $0x1F80, v62;
	v55 =	vor.u32 v6, v29;
	v56 =	vor.u32 v8, v42;
	v38 =	vmovc v30;
	v0 =	vld.idx.msk [tilespmem:v0+s20+$0x0], $0xffff  }
0xa9: {  	v37 =	vmovc v31;
	v31 =	vand.u32 $0x1F80, v2;
	v60 =	vor.u32 v9, v38;
	v2 =	vor.u32 v11, v40  }
0xaa: {  	v26 =	vmovc v13;
	v53 =	vld.idx.msk [tilespmem:v53+s20+$0x0], $0xffff;
	v59 =	vor.u32 v8, v31;
	v30 =	vand.u32 $0x1F80, v3;
	v22 =	vor.u32 v10, v23  }
0xab: {  	v52 =	vld.idx.msk [tilespmem:v61+s20+$0x0], $0xffff;
	v1 =	vadd.f32 v1, v28;
	v3 =	vor.u32 v8, v30;
	v48 =	vadd.f32 v48, v34  }
0xac: {  	v13 =	vld [tilespmem:$0x1FFC0];
	v41 =	vor.u32 v25, v24;
	v7 =	vadd.f32 v47, v19;
	v47 =	vmovc v44;
	v62 =	vor.u32 v5, v50  }
0xad: {  	v49 =	vld.idx.msk [tilespmem:v49+s16+$0x0], $0xffff;
	v57 =	vor.u32 v11, v39;
	[tilespmem:v56+s23+$0x0] =	vst.idx.msk $0xffff, v48;
	v0 =	vadd.f32 v0, v16  }
0xae: {  	v44 =	vadd.f32 v54, v27;
	v6 =	vor.u32 v11, v36;
	[tilespmem:v60+s23+$0x0] =	vst.idx.msk $0xffff, v7;
	v2 =	vld.idx.msk [tilespmem:v2+s20+$0x0], $0xffff  }
0xaf: {  	v43 =	vor.u32 v10, v45;
	v48 =	vor.u32 v8, v45;
	[tilespmem:v22+s23+$0x0] =	vst.idx.msk $0xffff, v0;
	v22 =	vld [tilespmem:$0x1FF30]  }
0xb0: {  	v55 =	vld.idx.msk [tilespmem:v55+s20+$0x0], $0xffff;
	v54 =	vor.u32 v11, v35;
	[tilespmem:v3+s23+$0x0] =	vst.idx.msk $0xffff, v1;
	v8 =	vor.u32 v9, v37  }
0xb1: {  	v61 =	vor.u32 v10, v31;
	v10 =	vor.u32 v10, v38;
	v63 =	vor.u32 v5, v24;
	v1 =	vld.idx.msk [tilespmem:v62+s20+$0x0], $0xffff  }
0xb2: {  	[tilespmem:v59+s23+$0x0] =	vst.idx.msk $0xffff, v44;
	v7 =	vor.u32 v9, v21;
	v52 =	vadd.f32 v52, v49;
	v9 =	vld.idx.msk [tilespmem:v57+s20+$0x0], $0xffff  }
0xb3: {  	v5 =	vor.u32 v5, v29;
	v11 =	vor.u32 v13, v42;
	v3 =	vadd.f32 v53, v20;
	v6 =	vld.idx.msk [tilespmem:v6+s20+$0x0], $0xffff  }
0xb4: {  	p1 =	slt.u32 s28, $0x3C;
	[tilespmem:v48+s23+$0x0] =	vst.idx.msk $0xffff, v52;
	v52 =	vor.u32 v25, v50;
	v57 =	vor.u32 v22, v50;
	v50 =	vld [tilespmem:$0x1FF40]  }
.Ltmp0:
0xb5: {  	v60 =	vor.u32 v13, v31;
	v48 =	vadd.f32 v55, v17;
	[tilespmem:v8+s23+$0x0] =	vst.idx.msk $0xffff, v3;
	v59 =	vld.idx.msk [tilespmem:v54+s20+$0x0], $0xffff;
	(pc) =	sbr.rel @p1 .LBB2_3-.Ltmp0, $4  }
0xb6: {  	v56 =	vor.u32 v13, v30;
	v62 =	vor.u32 v4, v36;
	v2 =	vadd.f32 v2, v34;
	v55 =	vld.idx.msk [tilespmem:v63+s20+$0x0], $0xffff  }
0xb7: {  	v1 =	vadd.f32 v1, v19;
	v63 =	vor.u32 v13, v45;
	[tilespmem:v7+s23+$0x0] =	vst.idx.msk $0xffff, v48;
	v53 =	vld.idx.msk [tilespmem:v58+s20+$0x0], $0xffff  }
0xb8: {  	v44 =	vmov v61;
	v13 =	vmov v26;
	v0 =	vadd.f32 v6, v27;
	[tilespmem:v11+s23+$0x0] =	vst.idx.msk $0xffff, v2;
	v54 =	vld.idx.msk [tilespmem:v5+s20+$0x0], $0xffff  }
0xb9: {  	s28 =	sadd.s32 $0x4, s28;
	[tilespmem:v10+s23+$0x0] =	vst.idx.msk $0xffff, v1;
	v58 =	vadd.f32 v9, v28;
	v61 =	vld.idx.msk [tilespmem:v12+s20+$0x0], $0xffff;
	v48 =	vor.u32 v50, v37  }
0xba: {  	v1 =	vor.u32 v4, v39;
	_ =	sdelay $0x3  }
0xbb: {  	[tilespmem:v56+s23+$0x0] =	vst.idx.msk $0xffff, v58  }
0xbc: {  	v1 =	vld.idx.msk [tilespmem:v1+s20+$0x0], $0xffff;
	_ =	sdelay $0x1  }
0xbd: {  	v2 =	vadd.f32 v59, v49;
	v3 =	vor.u32 v14, v30;
	_ =	sdelay $0x1  }
0xbe: {  	[tilespmem:v63+s23+$0x0] =	vst.idx.msk $0xffff, v2;
	v2 =	vor.u32 v14, v42  }
0xbf: {  	v1 =	vadd.f32 v1, v28;
	_ =	sdelay $0x1  }
0xc0: {  	[tilespmem:v3+s23+$0x0] =	vst.idx.msk $0xffff, v1;
	v3 =	vadd.f32 v61, v34  }
0xc1: {  	[tilespmem:v60+s23+$0x0] =	vst.idx.msk $0xffff, v0;
	v0 =	vor.u32 v15, v39  }
0xc2: {  	v5 =	vld.idx.msk [tilespmem:v51+s20+$0x0], $0xffff;
	[tilespmem:v2+s23+$0x0] =	vst.idx.msk $0xffff, v3  }
0xc3: {  	v6 =	vor.u32 v15, v40;
	v51 =	vld [tilespmem:$0x1FF60];
	_ =	sdelay $0x1  }
0xc4: {  	v60 =	vld.idx.msk [tilespmem:v62+s20+$0x0], $0xffff;
	v1 =	vor.u32 v14, v45  }
0xc5: {  	v0 =	vld.idx.msk [tilespmem:v0+s20+$0x0], $0xffff  }
0xc6: {  	v7 =	vor.u32 v14, v31  }
0xc7: {  	v8 =	vor.u32 v15, v36;
	v3 =	vadd.f32 v5, v49;
	v6 =	vld.idx.msk [tilespmem:v6+s20+$0x0], $0xffff;
	v2 =	vor.u32 v51, v30  }
0xc8: {  	v9 =	vor.u32 v15, v35;
	v56 =	vld [tilespmem:$0x1FF90]  }
0xc9: {  	v25 =	vmov v4;
	v4 =	vadd.f32 v60, v27;
	[tilespmem:v1+s23+$0x0] =	vst.idx.msk $0xffff, v3;
	v1 =	vor.u32 v51, v42  }
0xca: {  	v0 =	vadd.f32 v0, v28  }
0xcb: {  	[tilespmem:v7+s23+$0x0] =	vst.idx.msk $0xffff, v4  }
0xcc: {  	v4 =	vld.idx.msk [tilespmem:v8+s20+$0x0], $0xffff;
	[tilespmem:v2+s23+$0x0] =	vst.idx.msk $0xffff, v0;
	v2 =	vadd.f32 v6, v34  }
0xcd: {  	v3 =	vld.idx.msk [tilespmem:v9+s20+$0x0], $0xffff;
	v61 =	vor.u32 v56, v39  }
0xce: {  	v62 =	vor.u32 v56, v40;
	v63 =	vor.u32 v51, v31;
	[tilespmem:v1+s23+$0x0] =	vst.idx.msk $0xffff, v2  }
0xcf: {  	v60 =	vor.u32 v51, v45;
	v0 =	vor.u32 v56, v36;
	v59 =	vld [tilespmem:$0x1FFB0];
	_ =	sdelay $0x1  }
0xd0: {  	v4 =	vadd.f32 v4, v27  }
0xd1: {  	v5 =	vld.idx.msk [tilespmem:v61+s20+$0x0], $0xffff;
	v1 =	vadd.f32 v3, v49  }
0xd2: {  	v3 =	vld.idx.msk [tilespmem:v62+s20+$0x0], $0xffff;
	[tilespmem:v63+s23+$0x0] =	vst.idx.msk $0xffff, v4  }
0xd3: {  	[tilespmem:v60+s23+$0x0] =	vst.idx.msk $0xffff, v1;
	v0 =	vld.idx.msk [tilespmem:v0+s20+$0x0], $0xffff;
	v2 =	vor.u32 v59, v30  }
0xd4: {  	v58 =	vld [tilespmem:$0x1FFA0];
	v1 =	vor.u32 v59, v42  }
0xd5: {  	v61 =	vor.u32 v56, v35;
	v63 =	vor.u32 v59, v31  }
0xd6: {  	v5 =	vadd.f32 v5, v28  }
0xd7: {  	v3 =	vadd.f32 v3, v34  }
0xd8: {  	v0 =	vadd.f32 v0, v27;
	[tilespmem:v2+s23+$0x0] =	vst.idx.msk $0xffff, v5  }
0xd9: {  	v62 =	vor.u32 v58, v39;
	v26 =	vld [tilespmem:$0x1FF50];
	[tilespmem:v1+s23+$0x0] =	vst.idx.msk $0xffff, v3  }
0xda: {  	v6 =	vld.idx.msk [tilespmem:v61+s20+$0x0], $0xffff;
	[tilespmem:v63+s23+$0x0] =	vst.idx.msk $0xffff, v0  }
0xdb: {  	v61 =	vadd.f32 v53, v16;
	v7 =	vor.u32 v58, v40;
	v53 =	vld [tilespmem:$0x1FF70]  }
0xdc: {  	v9 =	vor.u32 v58, v36;
	v2 =	vor.u32 v59, v45  }
0xdd: {  	v11 =	vld.idx.msk [tilespmem:v57+s20+$0x0], $0xffff;
	v60 =	vor.u32 v22, v24;
	v24 =	vadd.f32 v55, v20;
	v10 =	vor.u32 v58, v35  }
0xde: {  	v0 =	vadd.f32 v54, v17;
	v1 =	vld.idx.msk [tilespmem:v62+s20+$0x0], $0xffff;
	v23 =	vor.u32 v26, v23  }
0xdf: {  	v3 =	vadd.f32 v6, v49;
	[tilespmem:v47+s23+$0x0] =	vst.idx.msk $0xffff, v24;
	v62 =	vor.u32 v26, v38  }
0xe0: {  	v12 =	vor.u32 v22, v29;
	v7 =	vld.idx.msk [tilespmem:v7+s20+$0x0], $0xffff;
	[tilespmem:v33+s23+$0x0] =	vst.idx.msk $0xffff, v0;
	v63 =	vor.u32 v53, v30  }
0xe1: {  	v9 =	vld.idx.msk [tilespmem:v9+s20+$0x0], $0xffff;
	[tilespmem:v2+s23+$0x0] =	vst.idx.msk $0xffff, v3  }
0xe2: {  	v0 =	vadd.f32 v11, v19;
	v3 =	vor.u32 v22, v39;
	v10 =	vld.idx.msk [tilespmem:v10+s20+$0x0], $0xffff;
	v2 =	vor.u32 v53, v42  }
0xe3: {  	v33 =	vor.u32 v22, v40;
	v1 =	vadd.f32 v1, v28;
	[tilespmem:v23+s23+$0x0] =	vst.idx.msk $0xffff, v61  }
0xe4: {  	v47 =	vor.u32 v22, v36;
	v5 =	vld.idx.msk [tilespmem:v60+s20+$0x0], $0xffff;
	[tilespmem:v62+s23+$0x0] =	vst.idx.msk $0xffff, v0  }
0xe5: {  	v57 =	vor.u32 v22, v35;
	v12 =	vld.idx.msk [tilespmem:v12+s20+$0x0], $0xffff;
	v0 =	vadd.f32 v7, v34;
	[tilespmem:v63+s23+$0x0] =	vst.idx.msk $0xffff, v1  }
0xe6: {  	v1 =	vadd.f32 v9, v27;
	v54 =	vld [tilespmem:$0x1FF80]  }
0xe7: {  	v60 =	vor.u32 v26, v37;
	[tilespmem:v2+s23+$0x0] =	vst.idx.msk $0xffff, v0;
	v0 =	vld.idx.msk [tilespmem:v3+s20+$0x0], $0xffff;
	v2 =	vadd.f32 v10, v49  }
0xe8: {  	v62 =	vor.u32 v26, v21;
	v63 =	vld.idx.msk [tilespmem:v33+s20+$0x0], $0xffff;
	[tilespmem:v44+s23+$0x0] =	vst.idx.msk $0xffff, v1  }
0xe9: {  	v33 =	vor.u32 v26, v30;
	v4 =	vld.idx.msk [tilespmem:v47+s20+$0x0], $0xffff;
	[tilespmem:v43+s23+$0x0] =	vst.idx.msk $0xffff, v2  }
0xea: {  	v1 =	vadd.f32 v5, v20;
	v2 =	vadd.f32 v12, v17;
	v12 =	vor.u32 v26, v42;
	v6 =	vld.idx.msk [tilespmem:v57+s20+$0x0], $0xffff  }
0xeb: {  	v3 =	vor.u32 v50, v38;
	v38 =	vor.u32 v26, v31;
	v61 =	vor.u32 v54, v18;
	v18 =	vld.idx.msk [tilespmem:v52+s20+$0x0], $0xffff  }
0xec: {  	v23 =	vor.u32 v26, v45;
	[tilespmem:v60+s23+$0x0] =	vst.idx.msk $0xffff, v1;
	v0 =	vadd.f32 v0, v28  }
0xed: {  	[tilespmem:v62+s23+$0x0] =	vst.idx.msk $0xffff, v2;
	v37 =	vor.u32 v54, v39;
	v39 =	vadd.f32 v63, v34  }
0xee: {  	[tilespmem:v33+s23+$0x0] =	vst.idx.msk $0xffff, v0;
	v0 =	vadd.f32 v4, v27  }
0xef: {  	[tilespmem:v12+s23+$0x0] =	vst.idx.msk $0xffff, v39;
	v42 =	vadd.f32 v6, v49  }
0xf0: {  	[tilespmem:v38+s23+$0x0] =	vst.idx.msk $0xffff, v0;
	v43 =	vadd.f32 v18, v19  }
0xf1: {  	[tilespmem:v23+s23+$0x0] =	vst.idx.msk $0xffff, v42  }
0xf2: {  	v24 =	vld.idx.msk [tilespmem:v41+s20+$0x0], $0xffff;
	[tilespmem:v3+s23+$0x0] =	vst.idx.msk $0xffff, v43  }
0xf3: {  	v5 =	vld [tilespmem:$0x1FF00]  }
0xf4: {  	v8 =	vld.idx.msk [tilespmem:v61+s20+$0x0], $0xffff  }
0xf5: {  	v41 =	vld.idx.msk [tilespmem:v37+s20+$0x0], $0xffff  }
0xf6: {  	v1 =	vor.u32 v54, v40;
	v40 =	vld.idx.msk [tilespmem:v46+s20+$0x0], $0xffff  }
0xf7: {  	v44 =	vor.u32 v50, v30  }
0xf8: {  	v3 =	vadd.f32 v24, v20  }
0xf9: {  	v0 =	vadd.f32 v8, v16  }
0xfa: {  	[tilespmem:v48+s23+$0x0] =	vst.idx.msk $0xffff, v3;
	v4 =	vadd.f32 v41, v28  }
0xfb: {  	v21 =	vor.u32 v54, v36;
	[tilespmem:v5+s23+$0x0] =	vst.idx.msk $0xffff, v0;
	v0 =	vadd.f32 v40, v17  }
0xfc: {  	v2 =	vor.u32 v54, v35;
	[tilespmem:v44+s23+$0x0] =	vst.idx.msk $0xffff, v4  }
0xfd: {  	[tilespmem:v32+s23+$0x0] =	vst.idx.msk $0xffff, v0  }
0xfe: {  	v4 =	vld [tilespmem:$0x1FF10]  }
0xff: {  	v1 =	vld.idx.msk [tilespmem:v1+s20+$0x0], $0xffff  }
0x100: {  	v46 =	vld.idx.msk [tilespmem:v21+s20+$0x0], $0xffff  }
0x101: {  	v2 =	vld.idx.msk [tilespmem:v2+s20+$0x0], $0xffff  }
0x102: {  	v47 =	vor.u32 v50, v31  }
0x103: {  	v3 =	vor.u32 v50, v45  }
0x104: {  	v0 =	vadd.f32 v1, v34  }
0x105: {  	p1 =	seq.s32 s25, $0x63;
	v1 =	vadd.f32 v46, v27  }
0x106: {  	s28 =	sshll.u32 @!p1 s25, $0x8;
	[tilespmem:v4+s23+$0x0] =	vst.idx.msk $0xffff, v0;
	v0 =	vadd.f32 v2, v49  }
0x107: {  	s28 =	sand.u32 @!p1 $0x3FFFFF00, s28;
	[tilespmem:v47+s23+$0x0] =	vst.idx.msk $0xffff, v1  }
0x108: {  	s30 =	simm.s32 @!p1 $0x80;
	s31 =	simm.s32 @!p1 $0x9600;
	s29 =	sadd.s32 @!p1 $0x100, s28;
	[tilespmem:v3+s23+$0x0] =	vst.idx.msk $0xffff, v0  }
0x109: {  	[tilespmem:s31], [sflag:$0x1] =	stream.indirect.gather @!p1 [hbm4b:s4+s30], $0x40, s29, s30, $0xb8;
	[tilespmem:$0x11600] =	vst v63  }
0x10a: {  	s29 =	sshll.u32 s25, $0x13  }
0x10b: {  	s29 =	sor.u32 s7, s29  }
0x10c: {  	s29 =	sshrl.u32 s29, $0x3  }
0x10d: {  	s19 =	sadd.s32 s2, s29  }
0x10e: {  	[hbm4b:s19+s3] =	stream.linear.scatter [tilespmem:s23], [sflag:$0x3], $0x400, $0x38;
	[tilespmem:$0x11600] =	vst v63  }
0x10f: {  	s31 =	sadd.s32 s29, s8;
	s19 =	simm.s32 $0xDA00  }
0x110: {  	[hbm4b:s31+s3] =	stream.linear.scatter [tilespmem:s19], [sflag:$0x3], $0x400, $0x38;
	[tilespmem:$0x11600] =	vst v63  }
0x111: {  	s19 =	sadd.s32 s29, s9;
	s31 =	simm.s32 $0xDE00  }
0x112: {  	[hbm4b:s19+s3] =	stream.linear.scatter [tilespmem:s31], [sflag:$0x3], $0x400, $0x38;
	[tilespmem:$0x11600] =	vst v63  }
0x113: {  	s19 =	sadd.s32 s29, s10;
	s31 =	simm.s32 $0xE200  }
0x114: {  	[hbm4b:s19+s3] =	stream.linear.scatter [tilespmem:s31], [sflag:$0x3], $0x400, $0x38;
	[tilespmem:$0x11600] =	vst v63  }
0x115: {  	s19 =	sadd.s32 s29, s11;
	s31 =	simm.s32 $0xE600  }
0x116: {  	[hbm4b:s19+s3] =	stream.linear.scatter [tilespmem:s31], [sflag:$0x3], $0x400, $0x38;
	[tilespmem:$0x11600] =	vst v63  }
0x117: {  	s19 =	sadd.s32 s29, s12;
	s31 =	simm.s32 $0xEA00  }
0x118: {  	[hbm4b:s19+s3] =	stream.linear.scatter [tilespmem:s31], [sflag:$0x3], $0x400, $0x38;
	[tilespmem:$0x11600] =	vst v63  }
0x119: {  	s19 =	sadd.s32 s29, s13;
	s31 =	simm.s32 $0xEE00  }
0x11a: {  	[hbm4b:s19+s3] =	stream.linear.scatter [tilespmem:s31], [sflag:$0x3], $0x400, $0x38;
	[tilespmem:$0x11600] =	vst v63  }
0x11b: {  	s30 =	simm.s32 $0xF200;
	s29 =	sadd.s32 s29, s14  }
0x11c: {  	[hbm4b:s29+s3] =	stream.linear.scatter [tilespmem:s30], [sflag:$0x3], $0x400, $0x38;
	[tilespmem:$0x11600] =	vst v63  }
0x11d: {  	_ =	swait.ge [sflag:s0], $0x2000  }
0x11e: {  	[sflag:s0] =	ssyncset.done $0x0  }
0x11f: {  	s29 =	simm.s32 @!p0 $0x4;
	[sflag:s0] =	ssyncadd.s32 $0xFFFFE000  }
0x120: {  	_ =	swait.ge @!p0 [sflag:s29], $0x400  }
0x121: {  	[sflag:s29] =	ssyncset.done @!p0 $0x0  }
0x122: {  	[sflag:s29] =	ssyncadd.s32 @!p0 $0xFFFFFC00  }
0x123: {  	_ =	swait.ge @!p0 [sflag:s29], $0x400  }
0x124: {  	[sflag:s29] =	ssyncset.done @!p0 $0x0  }
0x125: {  	[sflag:s29] =	ssyncadd.s32 @!p0 $0xFFFFFC00  }
0x126: {  	_ =	swait.ge @!p0 [sflag:s29], $0x400  }
0x127: {  	[sflag:s29] =	ssyncset.done @!p0 $0x0  }
0x128: {  	[sflag:s29] =	ssyncadd.s32 @!p0 $0xFFFFFC00  }
0x129: {  	_ =	swait.ge @!p0 [sflag:s29], $0x400  }
0x12a: {  	[sflag:s29] =	ssyncset.done @!p0 $0x0  }
0x12b: {  	[sflag:s29] =	ssyncadd.s32 @!p0 $0xFFFFFC00  }
0x12c: {  	_ =	swait.ge @!p0 [sflag:s29], $0x400  }
0x12d: {  	[sflag:s29] =	ssyncset.done @!p0 $0x0  }
0x12e: {  	[sflag:s29] =	ssyncadd.s32 @!p0 $0xFFFFFC00  }
0x12f: {  	_ =	swait.ge @!p0 [sflag:s29], $0x400  }
0x130: {  	v46 =	vlaneseq.u32;
	s31 =	simm.s32 $0x0;
	[sflag:s29] =	ssyncset.done @!p0 $0x0  }
0x131: {  	s26 =	sor.u32 $0x1, s26;
	v0 =	vadd.s32 s31, v46;
	[sflag:s29] =	ssyncadd.s32 @!p0 $0xFFFFFC00  }
0x132: {  	s19 =	sshll.u32 s26, $0x6;
	v18 =	vand.u32 $0x3F, v0;
	_ =	swait.ge @!p0 [sflag:s29], $0x400  }
0x133: {  	v41 =	vmov s19;
	v1 =	vor.u32 v13, v18;
	[sflag:s29] =	ssyncset.done @!p0 $0x0  }
0x134: {  	v2 =	vor.u32 v41, v18;
	[sflag:s29] =	ssyncadd.s32 @!p0 $0xFFFFFC00  }
0x135: {  	_ =	swait.ge @!p0 [sflag:s29], $0x400  }
0x136: {  	s31 =	simm.s32 $0x1;
	[sflag:s29] =	ssyncset.done @!p0 $0x0  }
0x137: {  	s19 =	simm.s32 $0x2;
	v3 =	vadd.s32 s31, v46;
	[sflag:s29] =	ssyncadd.s32 @!p0 $0xFFFFFC00  }
0x138: {  	v52 =	vadd.s32 s19, v46;
	v48 =	vand.u32 $0x3F, v3;
	v1 =	vld.idx.msk [tilespmem:v1+s21+$0x0], $0xffff  }
0x139: {  	v0 =	vshll.u32 v0, $0x7;
	v24 =	vand.u32 $0x3F, v52;
	v55 =	vor.u32 v41, v48;
	v16 =	vld.idx.msk [tilespmem:v2+s16+$0x0], $0xffff  }
0x13a: {  	v23 =	vand.u32 $0x1F80, v0;
	v57 =	vor.u32 v41, v24;
	v33 =	vld [tilespmem:$0x1FFE0];
	s29 =	simm.s32 $0x3  }
0x13b: {  	v61 =	vor.u32 v13, v24;
	v62 =	vor.u32 v46, v23;
	v60 =	vadd.s32 s29, v46  }
0x13c: {  	v29 =	vand.u32 $0x3F, v60  }
0x13d: {  	v0 =	vor.u32 v13, v29  }
0x13e: {  	v19 =	vld.idx.msk [tilespmem:v55+s16+$0x0], $0xffff;
	v2 =	vor.u32 v41, v29;
	v1 =	vadd.f32 v1, v16  }
0x13f: {  	v20 =	vld.idx.msk [tilespmem:v57+s16+$0x0], $0xffff;
	v63 =	vor.u32 v33, v18  }
0x140: {  	v32 =	vor.u32 v13, v48;
	v34 =	vld.idx.msk [tilespmem:v61+s21+$0x0], $0xffff;
	[tilespmem:v62+s1+$0x0] =	vst.idx.msk $0xffff, v1  }
0x141: {  	v26 =	vld [tilespmem:$0x1FFC0]  }
0x142: {  	v4 =	vshll.u32 v52, $0x7;
	v0 =	vld.idx.msk [tilespmem:v0+s21+$0x0], $0xffff  }
0x143: {  	v37 =	vand.u32 $0x1F80, v4;
	v7 =	vshll.u32 v60, $0x7;
	v17 =	vld.idx.msk [tilespmem:v2+s16+$0x0], $0xffff  }
0x144: {  	v21 =	vand.u32 $0x1F80, v7;
	v1 =	vor.u32 v46, v37;
	v2 =	vld.idx.msk [tilespmem:v63+s21+$0x0], $0xffff  }
0x145: {  	v3 =	vshll.u32 v3, $0x7;
	v35 =	vld.idx.msk [tilespmem:v32+s21+$0x0], $0xffff;
	v40 =	vor.u32 v33, v24;
	v7 =	vor.u32 v46, v21  }
0x146: {  	v38 =	vand.u32 $0x1F80, v3;
	v3 =	vor.u32 v33, v29;
	v42 =	vor.u32 v26, v23  }
0x147: {  	v44 =	vor.u32 v25, v18;
	v43 =	vor.u32 v46, v38;
	v6 =	vadd.f32 v34, v20  }
0x148: {  	v0 =	vadd.f32 v0, v17  }
0x149: {  	v45 =	vor.u32 v33, v48;
	[tilespmem:v1+s1+$0x0] =	vst.idx.msk $0xffff, v6;
	v1 =	vadd.f32 v2, v16  }
0x14a: {  	v2 =	vadd.f32 v35, v19;
	v47 =	vld.idx.msk [tilespmem:v40+s21+$0x0], $0xffff;
	[tilespmem:v7+s1+$0x0] =	vst.idx.msk $0xffff, v0  }
0x14b: {  	v0 =	vld.idx.msk [tilespmem:v3+s21+$0x0], $0xffff;
	[tilespmem:v42+s1+$0x0] =	vst.idx.msk $0xffff, v1  }
0x14c: {  	[tilespmem:v43+s1+$0x0] =	vst.idx.msk $0xffff, v2;
	v1 =	vor.u32 v26, v37;
	v2 =	vld.idx.msk [tilespmem:v44+s21+$0x0], $0xffff  }
0x14d: {  	v52 =	vor.u32 v26, v21  }
0x14e: {  	v49 =	vor.u32 v25, v24;
	v57 =	vor.u32 v14, v23;
	v3 =	vld.idx.msk [tilespmem:v45+s21+$0x0], $0xffff  }
0x14f: {  	v55 =	vor.u32 v25, v29;
	v4 =	vadd.f32 v47, v20  }
0x150: {  	v0 =	vadd.f32 v0, v17  }
0x151: {  	v34 =	vor.u32 v15, v18;
	[tilespmem:v1+s1+$0x0] =	vst.idx.msk $0xffff, v4;
	v1 =	vadd.f32 v2, v16  }
0x152: {  	v32 =	vor.u32 v26, v38;
	v35 =	vor.u32 v25, v48;
	[tilespmem:v52+s1+$0x0] =	vst.idx.msk $0xffff, v0  }
0x153: {  	v2 =	vadd.f32 v3, v19;
	v3 =	vld.idx.msk [tilespmem:v49+s21+$0x0], $0xffff;
	[tilespmem:v57+s1+$0x0] =	vst.idx.msk $0xffff, v1;
	v1 =	vor.u32 v50, v23  }
0x154: {  	v0 =	vld.idx.msk [tilespmem:v55+s21+$0x0], $0xffff;
	[tilespmem:$0x1FEB0] =	vst v1;
	v1 =	vor.u32 v53, v21  }
0x155: {  	v36 =	vor.u32 v14, v37;
	[tilespmem:$0x1FEC0] =	vst v1  }
0x156: {  	v40 =	vor.u32 v15, v24;
	v1 =	vld.idx.msk [tilespmem:v34+s21+$0x0], $0xffff  }
0x157: {  	[tilespmem:v32+s1+$0x0] =	vst.idx.msk $0xffff, v2  }
0x158: {  	v42 =	vor.u32 v51, v23;
	v3 =	vadd.f32 v3, v20;
	v39 =	vld.idx.msk [tilespmem:v35+s21+$0x0], $0xffff  }
0x159: {  	v61 =	vmov v25;
	v25 =	vor.u32 v14, v21  }
0x15a: {  	v43 =	vor.u32 v56, v18;
	v44 =	vor.u32 v14, v38;
	[tilespmem:v36+s1+$0x0] =	vst.idx.msk $0xffff, v3  }
0x15b: {  	s29 =	simm.s32 $0x5;
	v27 =	vor.u32 v15, v29;
	v45 =	vor.u32 v15, v48;
	v52 =	vld.idx.msk [tilespmem:v40+s21+$0x0], $0xffff;
	v1 =	vadd.f32 v1, v16  }
0x15c: {  	v55 =	vor.u32 v51, v37;
	v0 =	vadd.f32 v0, v17;
	v3 =	vadd.s32 s29, v46;
	s29 =	simm.s32 $0x4  }
0x15d: {  	v49 =	vadd.f32 v39, v19;
	v39 =	vand.u32 $0x3F, v3;
	[tilespmem:v42+s1+$0x0] =	vst.idx.msk $0xffff, v1;
	v1 =	vadd.s32 s29, v46  }
0x15e: {  	s31 =	simm.s32 $0x6;
	[tilespmem:v25+s1+$0x0] =	vst.idx.msk $0xffff, v0;
	v28 =	vor.u32 v41, v39;
	v40 =	vand.u32 $0x3F, v1;
	v1 =	vshll.u32 v1, $0x7  }
0x15f: {  	v57 =	vadd.s32 s31, v46;
	v60 =	vor.u32 v13, v39;
	v9 =	vld.idx.msk [tilespmem:v43+s21+$0x0], $0xffff;
	[tilespmem:v44+s1+$0x0] =	vst.idx.msk $0xffff, v49;
	v42 =	vand.u32 $0x1F80, v1  }
0x160: {  	v27 =	vld.idx.msk [tilespmem:v27+s21+$0x0], $0xffff;
	v5 =	vadd.f32 v52, v20;
	v63 =	vor.u32 v41, v40;
	v1 =	vor.u32 v50, v42  }
0x161: {  	v6 =	vor.u32 v59, v23;
	v36 =	vand.u32 $0x3F, v57;
	v10 =	vld.idx.msk [tilespmem:v45+s21+$0x0], $0xffff;
	v62 =	vor.u32 v13, v40;
	[tilespmem:$0x1FED0] =	vst v1  }
0x162: {  	v30 =	vor.u32 v51, v21;
	v0 =	vor.u32 v41, v36;
	s29 =	simm.s32 $0x7;
	[tilespmem:v55+s1+$0x0] =	vst.idx.msk $0xffff, v5  }
0x163: {  	v12 =	vor.u32 v51, v38;
	v31 =	vor.u32 v13, v36;
	v49 =	vadd.s32 s29, v46;
	v28 =	vld.idx.msk [tilespmem:v28+s16+$0x0], $0xffff;
	[tilespmem:$0x1FEE0] =	vst v41  }
0x164: {  	v2 =	vor.u32 v56, v48;
	v35 =	vand.u32 $0x3F, v49;
	v1 =	vadd.f32 v9, v16;
	v4 =	vld.idx.msk [tilespmem:v60+s21+$0x0], $0xffff  }
0x165: {  	v55 =	vshll.u32 v57, $0x7;
	v57 =	vadd.f32 v27, v17;
	v9 =	vor.u32 v13, v35;
	v34 =	vld.idx.msk [tilespmem:v63+s16+$0x0], $0xffff  }
0x166: {  	v5 =	vor.u32 v41, v35;
	v51 =	vadd.f32 v10, v19;
	[tilespmem:v6+s1+$0x0] =	vst.idx.msk $0xffff, v1;
	v1 =	vld.idx.msk [tilespmem:v62+s21+$0x0], $0xffff  }
0x167: {  	v3 =	vshll.u32 v3, $0x7;
	v50 =	vor.u32 v50, v21;
	v27 =	vld.idx.msk [tilespmem:v0+s16+$0x0], $0xffff;
	[tilespmem:v30+s1+$0x0] =	vst.idx.msk $0xffff, v57  }
0x168: {  	v60 =	vor.u32 v56, v24;
	v0 =	vor.u32 v46, v42;
	v62 =	vld.idx.msk [tilespmem:v31+s21+$0x0], $0xffff;
	[tilespmem:v12+s1+$0x0] =	vst.idx.msk $0xffff, v51  }
0x169: {  	v30 =	vand.u32 $0x1F80, v3;
	v3 =	vor.u32 v58, v18;
	v2 =	vld.idx.msk [tilespmem:v2+s21+$0x0], $0xffff;
	[tilespmem:$0x1FEF0] =	vst v50  }
0x16a: {  	v52 =	vshll.u32 v49, $0x7;
	v63 =	vor.u32 v59, v38;
	v12 =	vor.u32 v56, v29;
	v9 =	vld.idx.msk [tilespmem:v9+s21+$0x0], $0xffff  }
0x16b: {  	v31 =	vand.u32 $0x1F80, v55;
	v55 =	vor.u32 v33, v40;
	v49 =	vld.idx.msk [tilespmem:v5+s16+$0x0], $0xffff;
	v1 =	vadd.f32 v1, v34  }
0x16c: {  	v45 =	vand.u32 $0x1F80, v52;
	v52 =	vor.u32 v46, v30;
	v6 =	vor.u32 v46, v31  }
0x16d: {  	v56 =	vor.u32 v58, v48;
	v7 =	vld.idx.msk [tilespmem:v60+s21+$0x0], $0xffff;
	[tilespmem:v0+s1+$0x0] =	vst.idx.msk $0xffff, v1;
	v0 =	vor.u32 v46, v45  }
0x16e: {  	v50 =	vor.u32 v22, v18;
	v3 =	vld.idx.msk [tilespmem:v3+s21+$0x0], $0xffff;
	v4 =	vadd.f32 v4, v28;
	v2 =	vadd.f32 v2, v19  }
0x16f: {  	v60 =	vor.u32 v33, v36;
	v8 =	vadd.f32 v62, v27;
	v57 =	vld.idx.msk [tilespmem:v12+s21+$0x0], $0xffff;
	v12 =	vor.u32 v59, v37  }
0x170: {  	v9 =	vadd.f32 v9, v49;
	v5 =	vld.idx.msk [tilespmem:v55+s21+$0x0], $0xffff;
	[tilespmem:v63+s1+$0x0] =	vst.idx.msk $0xffff, v2;
	v2 =	vor.u32 v53, v23  }
0x171: {  	[tilespmem:v52+s1+$0x0] =	vst.idx.msk $0xffff, v4;
	v1 =	vor.u32 v33, v39;
	v63 =	vor.u32 v59, v21  }
0x172: {  	v7 =	vadd.f32 v7, v20;
	[tilespmem:v0+s1+$0x0] =	vst.idx.msk $0xffff, v9;
	v9 =	vor.u32 v26, v42  }
0x173: {  	v47 =	vor.u32 v53, v37;
	[tilespmem:v6+s1+$0x0] =	vst.idx.msk $0xffff, v8;
	v3 =	vadd.f32 v3, v16  }
0x174: {  	v43 =	vor.u32 v53, v45;
	v4 =	vld.idx.msk [tilespmem:v60+s21+$0x0], $0xffff;
	[tilespmem:v12+s1+$0x0] =	vst.idx.msk $0xffff, v7;
	v10 =	vadd.f32 v57, v17  }
0x175: {  	v8 =	vor.u32 v58, v24;
	v32 =	vld.idx.msk [tilespmem:v56+s21+$0x0], $0xffff;
	[tilespmem:v2+s1+$0x0] =	vst.idx.msk $0xffff, v3;
	v3 =	vadd.f32 v5, v34  }
0x176: {  	v44 =	vor.u32 v53, v31;
	v62 =	vor.u32 v33, v35;
	v1 =	vld.idx.msk [tilespmem:v1+s21+$0x0], $0xffff;
	[tilespmem:v63+s1+$0x0] =	vst.idx.msk $0xffff, v10  }
0x177: {  	v7 =	vor.u32 v53, v38;
	v0 =	vor.u32 v58, v29;
	v53 =	vld.idx.msk [tilespmem:v50+s21+$0x0], $0xffff;
	[tilespmem:v9+s1+$0x0] =	vst.idx.msk $0xffff, v3  }
0x178: {  	v2 =	vor.u32 v61, v40;
	v50 =	vld [tilespmem:$0x1FF40]  }
0x179: {  	v15 =	vmovc v13;
	v41 =	vor.u32 v54, v24;
	v51 =	vor.u32 v61, v35;
	v52 =	vor.u32 v54, v48  }
0x17a: {  	v46 =	vor.u32 v54, v29;
	v60 =	vor.u32 v26, v31;
	v56 =	vor.u32 v26, v30;
	v55 =	vld.idx.msk [tilespmem:v8+s21+$0x0], $0xffff  }
0x17b: {  	v25 =	vmovc v14;
	v57 =	vor.u32 v22, v48;
	v22 =	vmov v33;
	v59 =	vld.idx.msk [tilespmem:v62+s21+$0x0], $0xffff;
	v32 =	vadd.f32 v32, v19  }
0x17c: {  	v62 =	vor.u32 v61, v36;
	v63 =	vor.u32 v26, v45;
	v58 =	vadd.f32 v1, v28;
	v54 =	vld.idx.msk [tilespmem:v0+s21+$0x0], $0xffff  }
0x17d: {  	v14 =	vlaneseq.u32;
	s29 =	simm.s32 $0x8;
	v0 =	vadd.f32 v4, v27;
	[tilespmem:v7+s1+$0x0] =	vst.idx.msk $0xffff, v32;
	v61 =	vld.idx.msk [tilespmem:v2+s21+$0x0], $0xffff;
	v48 =	vor.u32 v50, v37  }
.LBB2_5:
0x17e: {  	v13 =	vld [tilespmem:$0x1FF50]  }
0x17f: {  	v26 =	vld [tilespmem:$0x1FF30];
	_ =	sdelay $0x3  }
0x180: {  	v32 =	vld [tilespmem:$0x1FF80];
	v4 =	vmov v17;
	v17 =	vmov v49;
	[tilespmem:v60+s1+$0x0] =	vst.idx.msk $0xffff, v0  }
0x181: {  	v8 =	vld.idx.msk [tilespmem:v62+s21+$0x0], $0xffff;
	v9 =	vadd.f32 v59, v17;
	v3 =	vor.u32 v13, v21;
	v6 =	vor.u32 v26, v29  }
0x182: {  	v29 =	vor.u32 v13, v23;
	v59 =	vor.u32 v13, v38;
	v37 =	vor.u32 v13, v37;
	v13 =	vld [tilespmem:$0x1FEC0]  }
0x183: {  	v10 =	vadd.f32 v55, v20;
	v55 =	vld [tilespmem:$0x1FFF0]  }
0x184: {  	v62 =	vld [tilespmem:$0x1FFD0];
	v5 =	vor.u32 v26, v24  }
0x185: {  	v2 =	vor.u32 v50, v38;
	v0 =	vld.idx.msk [tilespmem:v57+s21+$0x0], $0xffff  }
0x186: {  	v7 =	vor.u32 v25, v42;
	v33 =	vor.u32 v25, v31;
	v60 =	vld [tilespmem:$0x1FFB0];
	v12 =	vadd.f32 v53, v16  }
0x187: {  	v50 =	vmovc v39;
	v53 =	vld [tilespmem:$0x1FF90];
	v1 =	vor.u32 v32, v18;
	v18 =	vmov v40;
	v21 =	vmov v45;
	[tilespmem:v63+s1+$0x0] =	vst.idx.msk $0xffff, v9  }
0x188: {  	v45 =	vadd.f32 v54, v4;
	v40 =	vld.idx.msk [tilespmem:v51+s21+$0x0], $0xffff;
	[tilespmem:v47+s1+$0x0] =	vst.idx.msk $0xffff, v10;
	v11 =	vor.u32 v55, v18  }
0x189: {  	v39 =	vor.u32 v62, v50;
	v8 =	vadd.f32 v8, v27;
	v5 =	vld.idx.msk [tilespmem:v5+s21+$0x0], $0xffff  }
0x18a: {  	v49 =	vadd.f32 v61, v34;
	[tilespmem:v13+s1+$0x0] =	vst.idx.msk $0xffff, v45;
	v13 =	vld [tilespmem:$0x1FF60]  }
0x18b: {  	[tilespmem:v33+s1+$0x0] =	vst.idx.msk $0xffff, v8;
	v33 =	vld [tilespmem:$0x1FEB0]  }
0x18c: {  	v24 =	vmov v36;
	[tilespmem:v7+s1+$0x0] =	vst.idx.msk $0xffff, v49;
	v6 =	vld.idx.msk [tilespmem:v6+s21+$0x0], $0xffff  }
0x18d: {  	[tilespmem:v56+s1+$0x0] =	vst.idx.msk $0xffff, v58;
	v0 =	vadd.f32 v0, v19;
	v57 =	vor.u32 v55, v24;
	v11 =	vld.idx.msk [tilespmem:v11+s21+$0x0], $0xffff  }
0x18e: {  	v23 =	vmov v42;
	v54 =	vmov v43;
	v63 =	vor.u32 v55, v35;
	v58 =	vld.idx.msk [tilespmem:v39+s21+$0x0], $0xffff;
	[tilespmem:v29+s1+$0x0] =	vst.idx.msk $0xffff, v12  }
0x18f: {  	[tilespmem:v59+s1+$0x0] =	vst.idx.msk $0xffff, v0;
	v1 =	vld.idx.msk [tilespmem:v1+s21+$0x0], $0xffff;
	v5 =	vadd.f32 v5, v20;
	v47 =	vor.u32 v13, v30  }
0x190: {  	[tilespmem:$0x1FEC0] =	vst v54;
	v49 =	vor.u32 v13, v21;
	v0 =	vor.u32 v13, v23;
	v43 =	vor.u32 v13, v31;
	v13 =	vld [tilespmem:$0x1FEE0]  }
0x191: {  	s30 =	smov.u32 s29;
	v61 =	vld.idx.msk [tilespmem:v52+s21+$0x0], $0xffff;
	v45 =	vor.u32 v25, v21;
	v52 =	vor.u32 v25, v30;
	v6 =	vadd.f32 v6, v4  }
0x192: {  	s31 =	sadd.s32 $0x1, s30;
	v12 =	vor.u32 v55, v50;
	v55 =	vadd.f32 v11, v34;
	v11 =	vld.idx.msk [tilespmem:v57+s21+$0x0], $0xffff;
	[tilespmem:v37+s1+$0x0] =	vst.idx.msk $0xffff, v5  }
0x193: {  	v54 =	vld [tilespmem:$0x1FF40];
	v40 =	vadd.f32 v40, v17;
	[tilespmem:v3+s1+$0x0] =	vst.idx.msk $0xffff, v6;
	v3 =	vadd.s32 s31, v14  }
0x194: {  	v59 =	vor.u32 v53, v18;
	v1 =	vadd.f32 v1, v16;
	v37 =	vld.idx.msk [tilespmem:v41+s21+$0x0], $0xffff;
	v39 =	vand.u32 $0x3F, v3  }
0x195: {  	s19 =	sadd.s32 $0x2, s30;
	v16 =	vmov v34;
	v34 =	vld [tilespmem:$0x1FED0];
	[tilespmem:v0+s1+$0x0] =	vst.idx.msk $0xffff, v55;
	v0 =	vadd.f32 v58, v28;
	v58 =	vor.u32 v13, v39  }
0x196: {  	v6 =	vadd.s32 s19, v14;
	v56 =	vld.idx.msk [tilespmem:v46+s21+$0x0], $0xffff;
	[tilespmem:v45+s1+$0x0] =	vst.idx.msk $0xffff, v40  }
0x197: {  	v57 =	vadd.f32 v61, v19;
	v36 =	vand.u32 $0x3F, v6;
	v63 =	vld.idx.msk [tilespmem:v63+s21+$0x0], $0xffff;
	[tilespmem:v52+s1+$0x0] =	vst.idx.msk $0xffff, v0  }
0x198: {  	v7 =	vor.u32 v60, v23;
	v10 =	vor.u32 v53, v50;
	v0 =	vor.u32 v13, v36;
	v12 =	vld.idx.msk [tilespmem:v12+s21+$0x0], $0xffff  }
0x199: {  	v9 =	vld.idx.msk [tilespmem:v59+s21+$0x0], $0xffff;
	v59 =	vor.u32 v15, v39;
	v11 =	vadd.f32 v11, v27;
	[tilespmem:v2+s1+$0x0] =	vst.idx.msk $0xffff, v57  }
0x19a: {  	v5 =	vadd.s32 s30, v14;
	s30 =	sadd.s32 $0x3, s30;
	v19 =	vmov v28;
	[tilespmem:v33+s1+$0x0] =	vst.idx.msk $0xffff, v1;
	v1 =	vadd.f32 v37, v20;
	v28 =	vld.idx.msk [tilespmem:v58+s16+$0x0], $0xffff  }
0x19b: {  	v29 =	vmovc v35;
	v61 =	vadd.s32 s30, v14;
	v40 =	vand.u32 $0x3F, v5;
	v5 =	vshll.u32 v5, $0x7;
	[tilespmem:v43+s1+$0x0] =	vst.idx.msk $0xffff, v11;
	v58 =	vld [tilespmem:$0x1FEF0]  }
0x19c: {  	v42 =	vand.u32 $0x1F80, v5;
	v35 =	vmovc v34;
	v20 =	vmov v27;
	[tilespmem:v48+s1+$0x0] =	vst.idx.msk $0xffff, v1;
	v57 =	vadd.f32 v63, v17;
	v63 =	vld [tilespmem:$0x1FFA0]  }
0x19d: {  	v2 =	vshll.u32 v6, $0x7;
	[tilespmem:$0x1FEB0] =	vst v35;
	v6 =	vor.u32 v54, v42;
	v27 =	vld.idx.msk [tilespmem:v0+s16+$0x0], $0xffff;
	v0 =	vadd.f32 v12, v19  }
0x19e: {  	v3 =	vshll.u32 v3, $0x7;
	v55 =	vor.u32 v13, v40;
	v37 =	vor.u32 v15, v40;
	[tilespmem:$0x1FED0] =	vst v6;
	v1 =	vld.idx.msk [tilespmem:v59+s21+$0x0], $0xffff  }
0x19f: {  	v38 =	vmovc v30;
	v30 =	vand.u32 $0x1F80, v3;
	v52 =	vor.u32 v15, v36;
	v35 =	vand.u32 $0x3F, v61;
	[tilespmem:v47+s1+$0x0] =	vst.idx.msk $0xffff, v0;
	v0 =	vld [tilespmem:$0x1FF40]  }
0x1a0: {  	v4 =	vadd.f32 v56, v4;
	v8 =	vor.u32 v13, v35;
	v9 =	vadd.f32 v9, v16;
	v6 =	vld.idx.msk [tilespmem:v10+s21+$0x0], $0xffff  }
0x1a1: {  	v56 =	vor.u32 v15, v35;
	v13 =	vshll.u32 v61, $0x7;
	v61 =	vor.u32 v53, v24  }
0x1a2: {  	v45 =	vand.u32 $0x1F80, v13;
	v13 =	vld [tilespmem:$0x1FF70];
	[tilespmem:v7+s1+$0x0] =	vst.idx.msk $0xffff, v9;
	v10 =	vor.u32 v53, v29;
	v53 =	vor.u32 v60, v38  }
0x1a3: {  	v41 =	vor.u32 v32, v24;
	v3 =	vor.u32 v14, v30;
	v59 =	vld.idx.msk [tilespmem:v37+s21+$0x0], $0xffff  }
0x1a4: {  	v34 =	vld.idx.msk [tilespmem:v55+s16+$0x0], $0xffff;
	v33 =	vor.u32 v63, v50;
	[tilespmem:v58+s1+$0x0] =	vst.idx.msk $0xffff, v4;
	v0 =	vor.u32 v0, v21  }
0x1a5: {  	v7 =	vld.idx.msk [tilespmem:v52+s21+$0x0], $0xffff;
	[tilespmem:$0x1FEF0] =	vst v0;
	v0 =	vor.u32 v63, v18;
	v6 =	vadd.f32 v6, v19  }
0x1a6: {  	v12 =	vor.u32 v14, v42;
	v5 =	vld.idx.msk [tilespmem:v61+s21+$0x0], $0xffff;
	v1 =	vadd.f32 v1, v28;
	[tilespmem:v49+s1+$0x0] =	vst.idx.msk $0xffff, v57  }
0x1a7: {  	v46 =	vor.u32 v32, v29;
	v37 =	vmov v31;
	v31 =	vand.u32 $0x1F80, v2;
	v11 =	vld.idx.msk [tilespmem:v56+s21+$0x0], $0xffff;
	[tilespmem:v53+s1+$0x0] =	vst.idx.msk $0xffff, v6  }
0x1a8: {  	v48 =	vor.u32 v22, v39;
	v52 =	vor.u32 v14, v31;
	v49 =	vld.idx.msk [tilespmem:v8+s16+$0x0], $0xffff;
	[tilespmem:v3+s1+$0x0] =	vst.idx.msk $0xffff, v1  }
0x1a9: {  	v9 =	vor.u32 v26, v18;
	v2 =	vor.u32 v22, v40;
	v4 =	vadd.f32 v59, v34;
	v1 =	vld.idx.msk [tilespmem:v33+s21+$0x0], $0xffff  }
0x1aa: {  	v55 =	vor.u32 v63, v24;
	v61 =	vor.u32 v63, v29;
	v7 =	vadd.f32 v7, v27;
	v0 =	vld.idx.msk [tilespmem:v0+s21+$0x0], $0xffff  }
0x1ab: {  	v63 =	vor.u32 v22, v36;
	v33 =	vld [tilespmem:$0x1FFC0];
	[tilespmem:v12+s1+$0x0] =	vst.idx.msk $0xffff, v4;
	v4 =	vor.u32 v14, v45  }
0x1ac: {  	v43 =	vor.u32 v13, v45;
	v54 =	vor.u32 v13, v31;
	v57 =	vor.u32 v13, v23;
	v10 =	vld.idx.msk [tilespmem:v10+s21+$0x0], $0xffff  }
0x1ad: {  	v59 =	vor.u32 v22, v35;
	[tilespmem:v52+s1+$0x0] =	vst.idx.msk $0xffff, v7;
	v12 =	vor.u32 v60, v37  }
0x1ae: {  	v3 =	vadd.f32 v5, v20;
	v5 =	vor.u32 v60, v21;
	v53 =	vadd.f32 v11, v49;
	v2 =	vld.idx.msk [tilespmem:v2+s21+$0x0], $0xffff  }
0x1af: {  	v8 =	vor.u32 v13, v38;
	v13 =	vor.u32 v62, v40;
	v6 =	vld.idx.msk [tilespmem:v48+s21+$0x0], $0xffff;
	v0 =	vadd.f32 v0, v16  }
0x1b0: {  	v52 =	vor.u32 v32, v50;
	v63 =	vld.idx.msk [tilespmem:v63+s21+$0x0], $0xffff;
	v11 =	vor.u32 v33, v42;
	[tilespmem:v4+s1+$0x0] =	vst.idx.msk $0xffff, v53  }
0x1b1: {  	p0 =	slt.u32 s29, $0x3C;
	v10 =	vadd.f32 v10, v17;
	[tilespmem:v57+s1+$0x0] =	vst.idx.msk $0xffff, v0;
	v57 =	vor.u32 v26, v50;
	v50 =	vld [tilespmem:$0x1FF40]  }
.Ltmp1:
0x1b2: {  	v51 =	vor.u32 v62, v35;
	v1 =	vadd.f32 v1, v19;
	[tilespmem:v12+s1+$0x0] =	vst.idx.msk $0xffff, v3;
	v59 =	vld.idx.msk [tilespmem:v59+s21+$0x0], $0xffff;
	(pc) =	sbr.rel @p0 .LBB2_5-.Ltmp1, $4  }
0x1b3: {  	v47 =	vmov v44;
	v44 =	vmov v54;
	v2 =	vadd.f32 v2, v34;
	v55 =	vld.idx.msk [tilespmem:v55+s21+$0x0], $0xffff;
	[tilespmem:v5+s1+$0x0] =	vst.idx.msk $0xffff, v10  }
0x1b4: {  	v62 =	vor.u32 v62, v36;
	v56 =	vor.u32 v33, v30;
	[tilespmem:v8+s1+$0x0] =	vst.idx.msk $0xffff, v1;
	v54 =	vld.idx.msk [tilespmem:v61+s21+$0x0], $0xffff  }
0x1b5: {  	v60 =	vor.u32 v33, v31;
	v58 =	vadd.f32 v6, v28;
	v53 =	vld.idx.msk [tilespmem:v9+s21+$0x0], $0xffff;
	[tilespmem:v11+s1+$0x0] =	vst.idx.msk $0xffff, v2  }
0x1b6: {  	s29 =	sadd.s32 $0x4, s29;
	v0 =	vadd.f32 v63, v27;
	v63 =	vor.u32 v33, v45;
	v61 =	vld.idx.msk [tilespmem:v13+s21+$0x0], $0xffff;
	v48 =	vor.u32 v50, v37  }
0x1b7: {  	v14 =	vld [tilespmem:$0x1FFD0];
	_ =	sdelay $0x4  }
0x1b8: {  	v1 =	vor.u32 v14, v39;
	_ =	sdelay $0x3  }
0x1b9: {  	[tilespmem:v56+s1+$0x0] =	vst.idx.msk $0xffff, v58  }
0x1ba: {  	v1 =	vld.idx.msk [tilespmem:v1+s21+$0x0], $0xffff;
	_ =	sdelay $0x1  }
0x1bb: {  	v2 =	vadd.f32 v59, v49;
	v3 =	vor.u32 v25, v30;
	[tilespmem:v60+s1+$0x0] =	vst.idx.msk $0xffff, v0  }
0x1bc: {  	v59 =	vld [tilespmem:$0x1FFF0]  }
0x1bd: {  	[tilespmem:v63+s1+$0x0] =	vst.idx.msk $0xffff, v2;
	v2 =	vor.u32 v25, v42  }
0x1be: {  	v1 =	vadd.f32 v1, v28;
	_ =	sdelay $0x1  }
0x1bf: {  	[tilespmem:v3+s1+$0x0] =	vst.idx.msk $0xffff, v1;
	v3 =	vadd.f32 v61, v34  }
0x1c0: {  	v0 =	vor.u32 v59, v39  }
0x1c1: {  	v5 =	vld.idx.msk [tilespmem:v51+s21+$0x0], $0xffff;
	[tilespmem:v2+s1+$0x0] =	vst.idx.msk $0xffff, v3  }
0x1c2: {  	v6 =	vor.u32 v59, v40;
	v51 =	vld [tilespmem:$0x1FF60];
	_ =	sdelay $0x1  }
0x1c3: {  	v4 =	vld.idx.msk [tilespmem:v62+s21+$0x0], $0xffff;
	v1 =	vor.u32 v25, v45  }
0x1c4: {  	v0 =	vld.idx.msk [tilespmem:v0+s21+$0x0], $0xffff  }
0x1c5: {  	v7 =	vor.u32 v25, v31  }
0x1c6: {  	v3 =	vadd.f32 v5, v49;
	v6 =	vld.idx.msk [tilespmem:v6+s21+$0x0], $0xffff;
	v2 =	vor.u32 v51, v30  }
0x1c7: {  	v8 =	vor.u32 v59, v36;
	v9 =	vor.u32 v59, v35;
	v32 =	vld [tilespmem:$0x1FF90]  }
0x1c8: {  	v4 =	vadd.f32 v4, v27;
	[tilespmem:v1+s1+$0x0] =	vst.idx.msk $0xffff, v3;
	v1 =	vor.u32 v51, v42  }
0x1c9: {  	v0 =	vadd.f32 v0, v28  }
0x1ca: {  	[tilespmem:v7+s1+$0x0] =	vst.idx.msk $0xffff, v4  }
0x1cb: {  	[tilespmem:v2+s1+$0x0] =	vst.idx.msk $0xffff, v0;
	v2 =	vadd.f32 v6, v34  }
0x1cc: {  	v4 =	vld.idx.msk [tilespmem:v8+s21+$0x0], $0xffff;
	v5 =	vor.u32 v32, v39  }
0x1cd: {  	v3 =	vld.idx.msk [tilespmem:v9+s21+$0x0], $0xffff;
	[tilespmem:v1+s1+$0x0] =	vst.idx.msk $0xffff, v2  }
0x1ce: {  	v7 =	vor.u32 v32, v40;
	v8 =	vor.u32 v51, v31;
	v58 =	vld [tilespmem:$0x1FFB0]  }
0x1cf: {  	v9 =	vor.u32 v51, v45;
	v0 =	vor.u32 v32, v36;
	_ =	sdelay $0x1  }
0x1d0: {  	v4 =	vadd.f32 v4, v27;
	v6 =	vor.u32 v32, v35;
	v5 =	vld.idx.msk [tilespmem:v5+s21+$0x0], $0xffff  }
0x1d1: {  	v1 =	vadd.f32 v3, v49  }
0x1d2: {  	v3 =	vld.idx.msk [tilespmem:v7+s21+$0x0], $0xffff;
	[tilespmem:v8+s1+$0x0] =	vst.idx.msk $0xffff, v4;
	v2 =	vor.u32 v58, v30  }
0x1d3: {  	[tilespmem:v9+s1+$0x0] =	vst.idx.msk $0xffff, v1;
	v0 =	vld.idx.msk [tilespmem:v0+s21+$0x0], $0xffff  }
0x1d4: {  	v56 =	vld [tilespmem:$0x1FFA0];
	v1 =	vor.u32 v58, v42  }
0x1d5: {  	v6 =	vld.idx.msk [tilespmem:v6+s21+$0x0], $0xffff;
	v5 =	vadd.f32 v5, v28;
	v8 =	vor.u32 v58, v31;
	_ =	sdelay $0x1  }
0x1d6: {  	v11 =	vld.idx.msk [tilespmem:v57+s21+$0x0], $0xffff;
	v3 =	vadd.f32 v3, v34;
	[tilespmem:v2+s1+$0x0] =	vst.idx.msk $0xffff, v5;
	v2 =	vor.u32 v58, v45  }
0x1d7: {  	v0 =	vadd.f32 v0, v27;
	v26 =	vld [tilespmem:$0x1FF30]  }
0x1d8: {  	v13 =	vadd.f32 v55, v20;
	v57 =	vld [tilespmem:$0x1FF50];
	[tilespmem:v1+s1+$0x0] =	vst.idx.msk $0xffff, v3  }
0x1d9: {  	v4 =	vor.u32 v56, v39;
	v3 =	vadd.f32 v6, v49;
	[tilespmem:v8+s1+$0x0] =	vst.idx.msk $0xffff, v0  }
0x1da: {  	v60 =	vld [tilespmem:$0x1FF70];
	[tilespmem:v47+s1+$0x0] =	vst.idx.msk $0xffff, v13  }
0x1db: {  	[tilespmem:v2+s1+$0x0] =	vst.idx.msk $0xffff, v3  }
0x1dc: {  	v7 =	vor.u32 v56, v40;
	v13 =	vld [tilespmem:$0x1FEC0]  }
0x1dd: {  	v9 =	vor.u32 v56, v36  }
0x1de: {  	v10 =	vor.u32 v56, v35;
	v1 =	vld.idx.msk [tilespmem:v4+s21+$0x0], $0xffff;
	v23 =	vor.u32 v57, v23;
	_ =	sdelay $0x1  }
0x1df: {  	v5 =	vor.u32 v26, v24;
	v8 =	vor.u32 v60, v30  }
0x1e0: {  	v4 =	vadd.f32 v53, v16;
	v7 =	vld.idx.msk [tilespmem:v7+s21+$0x0], $0xffff;
	v12 =	vor.u32 v26, v29;
	v6 =	vor.u32 v57, v38  }
0x1e1: {  	v0 =	vadd.f32 v54, v17;
	v9 =	vld.idx.msk [tilespmem:v9+s21+$0x0], $0xffff;
	v3 =	vor.u32 v26, v39  }
0x1e2: {  	v10 =	vld.idx.msk [tilespmem:v10+s21+$0x0], $0xffff;
	v2 =	vor.u32 v60, v42;
	v1 =	vadd.f32 v1, v28;
	[tilespmem:v23+s1+$0x0] =	vst.idx.msk $0xffff, v4  }
0x1e3: {  	[tilespmem:v13+s1+$0x0] =	vst.idx.msk $0xffff, v0;
	v0 =	vadd.f32 v11, v19;
	v11 =	vor.u32 v26, v40  }
0x1e4: {  	v5 =	vld.idx.msk [tilespmem:v5+s21+$0x0], $0xffff;
	v4 =	vor.u32 v26, v36;
	[tilespmem:v8+s1+$0x0] =	vst.idx.msk $0xffff, v1  }
0x1e5: {  	v12 =	vld.idx.msk [tilespmem:v12+s21+$0x0], $0xffff;
	[tilespmem:v6+s1+$0x0] =	vst.idx.msk $0xffff, v0;
	v0 =	vadd.f32 v7, v34;
	v6 =	vor.u32 v26, v35  }
0x1e6: {  	v1 =	vadd.f32 v9, v27;
	v7 =	vor.u32 v57, v37;
	v33 =	vld [tilespmem:$0x1FF80]  }
0x1e7: {  	[tilespmem:v2+s1+$0x0] =	vst.idx.msk $0xffff, v0;
	v0 =	vld.idx.msk [tilespmem:v3+s21+$0x0], $0xffff;
	v2 =	vadd.f32 v10, v49  }
0x1e8: {  	v9 =	vor.u32 v57, v21;
	[tilespmem:v44+s1+$0x0] =	vst.idx.msk $0xffff, v1;
	v10 =	vld.idx.msk [tilespmem:v11+s21+$0x0], $0xffff  }
0x1e9: {  	v1 =	vadd.f32 v5, v20;
	v5 =	vor.u32 v57, v30;
	v4 =	vld.idx.msk [tilespmem:v4+s21+$0x0], $0xffff;
	[tilespmem:v43+s1+$0x0] =	vst.idx.msk $0xffff, v2  }
0x1ea: {  	v2 =	vadd.f32 v12, v17;
	v12 =	vor.u32 v57, v42;
	v6 =	vld.idx.msk [tilespmem:v6+s21+$0x0], $0xffff  }
0x1eb: {  	v13 =	vld.idx.msk [tilespmem:v52+s21+$0x0], $0xffff;
	[tilespmem:v7+s1+$0x0] =	vst.idx.msk $0xffff, v1;
	v7 =	vor.u32 v57, v31  }
0x1ec: {  	v62 =	vor.u32 v57, v45;
	v0 =	vadd.f32 v0, v28  }
0x1ed: {  	v3 =	vor.u32 v50, v38;
	[tilespmem:v9+s1+$0x0] =	vst.idx.msk $0xffff, v2;
	v9 =	vadd.f32 v10, v34  }
0x1ee: {  	[tilespmem:v5+s1+$0x0] =	vst.idx.msk $0xffff, v0;
	v0 =	vadd.f32 v4, v27  }
0x1ef: {  	v8 =	vor.u32 v33, v18;
	[tilespmem:v12+s1+$0x0] =	vst.idx.msk $0xffff, v9;
	v5 =	vadd.f32 v6, v49  }
0x1f0: {  	v6 =	vadd.f32 v13, v19;
	[tilespmem:v7+s1+$0x0] =	vst.idx.msk $0xffff, v0  }
0x1f1: {  	[tilespmem:v62+s1+$0x0] =	vst.idx.msk $0xffff, v5  }
0x1f2: {  	v63 =	vld.idx.msk [tilespmem:v41+s21+$0x0], $0xffff;
	[tilespmem:v3+s1+$0x0] =	vst.idx.msk $0xffff, v6  }
0x1f3: {  	v5 =	vld [tilespmem:$0x1FEB0]  }
0x1f4: {  	v8 =	vld.idx.msk [tilespmem:v8+s21+$0x0], $0xffff;
	_ =	sdelay $0x1  }
0x1f5: {  	v11 =	vor.u32 v33, v39;
	_ =	sdelay $0x1  }
0x1f6: {  	v3 =	vadd.f32 v63, v20  }
0x1f7: {  	v0 =	vadd.f32 v8, v16  }
0x1f8: {  	[tilespmem:v48+s1+$0x0] =	vst.idx.msk $0xffff, v3  }
0x1f9: {  	v4 =	vld.idx.msk [tilespmem:v11+s21+$0x0], $0xffff;
	[tilespmem:v5+s1+$0x0] =	vst.idx.msk $0xffff, v0  }
0x1fa: {  	v6 =	vld [tilespmem:$0x1FEF0]  }
0x1fb: {  	v10 =	vld.idx.msk [tilespmem:v46+s21+$0x0], $0xffff  }
0x1fc: {  	v7 =	vor.u32 v50, v30;
	_ =	sdelay $0x2  }
0x1fd: {  	v1 =	vor.u32 v33, v40;
	v4 =	vadd.f32 v4, v28  }
0x1fe: {  	v61 =	vor.u32 v33, v36;
	v0 =	vadd.f32 v10, v17  }
0x1ff: {  	v2 =	vor.u32 v33, v35;
	[tilespmem:v7+s1+$0x0] =	vst.idx.msk $0xffff, v4  }
0x200: {  	[tilespmem:v6+s1+$0x0] =	vst.idx.msk $0xffff, v0  }
0x201: {  	v4 =	vld [tilespmem:$0x1FED0]  }
0x202: {  	v1 =	vld.idx.msk [tilespmem:v1+s21+$0x0], $0xffff  }
0x203: {  	v8 =	vld.idx.msk [tilespmem:v61+s21+$0x0], $0xffff  }
0x204: {  	v2 =	vld.idx.msk [tilespmem:v2+s21+$0x0], $0xffff  }
0x205: {  	v5 =	vor.u32 v50, v31  }
0x206: {  	v3 =	vor.u32 v50, v45  }
0x207: {  	v0 =	vadd.f32 v1, v34  }
0x208: {  	v1 =	vadd.f32 v8, v27  }
0x209: {  	[tilespmem:v4+s1+$0x0] =	vst.idx.msk $0xffff, v0;
	v0 =	vadd.f32 v2, v49  }
0x20a: {  	s19 =	sadd.s32 @!p1 $0x180, s28;
	[tilespmem:v5+s1+$0x0] =	vst.idx.msk $0xffff, v1  }
0x20b: {  	s28 =	simm.s32 @!p1 $0x80;
	s29 =	simm.s32 @!p1 $0xB600;
	s26 =	sshll.u32 s26, $0x12;
	[tilespmem:v3+s1+$0x0] =	vst.idx.msk $0xffff, v0  }
0x20c: {  	[tilespmem:s29], [sflag:$0x2] =	stream.indirect.gather @!p1 [hbm4b:s4+s28], $0x40, s19, s28, $0xb8;
	[tilespmem:$0x11600] =	vst v63  }
0x20d: {  	s19 =	sor.u32 s7, s26  }
0x20e: {  	s19 =	sshrl.u32 s19, $0x3  }
0x20f: {  	s28 =	sadd.s32 s2, s19  }
0x210: {  	[hbm4b:s28+s3] =	stream.linear.scatter [tilespmem:s1], [sflag:$0x4], $0x400, $0x38;
	[tilespmem:$0x11600] =	vst v63  }
0x211: {  	s30 =	simm.s32 $0xFA00;
	s29 =	sadd.s32 s19, s8  }
0x212: {  	[hbm4b:s29+s3] =	stream.linear.scatter [tilespmem:s30], [sflag:$0x4], $0x400, $0x38;
	[tilespmem:$0x11600] =	vst v63  }
0x213: {  	s31 =	sadd.s32 s19, s9  }
0x214: {  	[hbm4b:s31+s3] =	stream.linear.scatter [tilespmem:s5], [sflag:$0x4], $0x400, $0x38;
	[tilespmem:$0x11600] =	vst v63  }
0x215: {  	s28 =	sadd.s32 s19, s10  }
0x216: {  	[hbm4b:s28+s3] =	stream.linear.scatter [tilespmem:s6], [sflag:$0x4], $0x400, $0x38;
	[tilespmem:$0x11600] =	vst v63  }
0x217: {  	s25 =	sadd.s32 $0x1, s25;
	s29 =	sadd.s32 s19, s11  }
0x218: {  	[hbm4b:s29+s3] =	stream.linear.scatter [tilespmem:s15], [sflag:$0x4], $0x400, $0x38;
	[tilespmem:$0x11600] =	vst v63  }
0x219: {  	p0 =	sne.s32 s25, $0x64;
	s30 =	sadd.s32 s19, s12  }
0x21a: {  	[hbm4b:s30+s3] =	stream.linear.scatter [tilespmem:s18], [sflag:$0x4], $0x400, $0x38;
	[tilespmem:$0x11600] =	vst v63  }
.Ltmp2:
0x21b: {  	_ = 	snop;
	(pc) =	sbr.rel @p0 .LBB2_2-.Ltmp2, $4  }
0x21c: {  	s31 =	sadd.s32 s19, s13  }
0x21d: {  	v13 =	vmov v15;
	v15 =	vmov v59;
	[hbm4b:s31+s3] =	stream.linear.scatter [tilespmem:s17], [sflag:$0x4], $0x400, $0x38;
	[tilespmem:$0x11600] =	vst v63  }
0x21e: {  	v9 =	vmovc v33;
	v10 =	vlaneseq.u32;
	v7 =	vmovc v60;
	v8 =	vmov v22;
	v6 =	vmov v56;
	s19 =	sadd.s32 s19, s14  }
0x21f: {  	v5 =	vmovc v58;
	v4 =	vmovc v14;
	v14 =	vmov v25;
	v2 =	vmov v51;
	v3 =	vmov v32;
	v1 =	vld [tilespmem:$0x1FFC0];
	[hbm4b:s19+s3] =	stream.linear.scatter [tilespmem:s24], [sflag:$0x4], $0x400, $0x38  }
0x220: {  	s19 =	simm.s32 $0x3  }
0x221: {  	_ =	swait.ge [sflag:s19], $0x400  }
0x222: {  	[sflag:s19] =	ssyncset.done $0x0  }
0x223: {  	[sflag:s19] =	ssyncadd.s32 $0xFFFFFC00  }
0x224: {  	_ =	swait.ge [sflag:s19], $0x400  }
0x225: {  	[sflag:s19] =	ssyncset.done $0x0  }
0x226: {  	[sflag:s19] =	ssyncadd.s32 $0xFFFFFC00  }
0x227: {  	_ =	swait.ge [sflag:s19], $0x400  }
0x228: {  	[sflag:s19] =	ssyncset.done $0x0  }
0x229: {  	[sflag:s19] =	ssyncadd.s32 $0xFFFFFC00  }
0x22a: {  	_ =	swait.ge [sflag:s19], $0x400  }
0x22b: {  	[sflag:s19] =	ssyncset.done $0x0  }
0x22c: {  	[sflag:s19] =	ssyncadd.s32 $0xFFFFFC00  }
0x22d: {  	_ =	swait.ge [sflag:s19], $0x400  }
0x22e: {  	[sflag:s19] =	ssyncset.done $0x0  }
0x22f: {  	[sflag:s19] =	ssyncadd.s32 $0xFFFFFC00  }
0x230: {  	_ =	swait.ge [sflag:s19], $0x400  }
0x231: {  	[sflag:s19] =	ssyncset.done $0x0  }
0x232: {  	[sflag:s19] =	ssyncadd.s32 $0xFFFFFC00  }
0x233: {  	_ =	swait.ge [sflag:s19], $0x400  }
0x234: {  	[sflag:s19] =	ssyncset.done $0x0  }
0x235: {  	[sflag:s19] =	ssyncadd.s32 $0xFFFFFC00  }
0x236: {  	_ =	swait.ge [sflag:s19], $0x400  }
0x237: {  	[sflag:s19] =	ssyncset.done $0x0  }
0x238: {  	s25 =	simm.s32 $0x4;
	[sflag:s19] =	ssyncadd.s32 $0xFFFFFC00  }
0x239: {  	_ =	swait.ge [sflag:s25], $0x400  }
0x23a: {  	[sflag:s25] =	ssyncset.done $0x0  }
0x23b: {  	[sflag:s25] =	ssyncadd.s32 $0xFFFFFC00  }
0x23c: {  	_ =	swait.ge [sflag:s25], $0x400  }
0x23d: {  	[sflag:s25] =	ssyncset.done $0x0  }
0x23e: {  	[sflag:s25] =	ssyncadd.s32 $0xFFFFFC00  }
0x23f: {  	_ =	swait.ge [sflag:s25], $0x400  }
0x240: {  	[sflag:s25] =	ssyncset.done $0x0  }
0x241: {  	[sflag:s25] =	ssyncadd.s32 $0xFFFFFC00  }
0x242: {  	_ =	swait.ge [sflag:s25], $0x400  }
0x243: {  	[sflag:s25] =	ssyncset.done $0x0  }
0x244: {  	[sflag:s25] =	ssyncadd.s32 $0xFFFFFC00  }
0x245: {  	_ =	swait.ge [sflag:s25], $0x400  }
0x246: {  	[sflag:s25] =	ssyncset.done $0x0  }
0x247: {  	[sflag:s25] =	ssyncadd.s32 $0xFFFFFC00  }
0x248: {  	_ =	swait.ge [sflag:s25], $0x400  }
0x249: {  	[sflag:s25] =	ssyncset.done $0x0  }
0x24a: {  	[sflag:s25] =	ssyncadd.s32 $0xFFFFFC00  }
0x24b: {  	_ =	swait.ge [sflag:s25], $0x400  }
0x24c: {  	[sflag:s25] =	ssyncset.done $0x0  }
0x24d: {  	[sflag:s25] =	ssyncadd.s32 $0xFFFFFC00  }
0x24e: {  	_ =	swait.ge [sflag:s25], $0x400  }
0x24f: {  	s26 =	rddreg [dreg:$0x6]  }
0x250: {  	s31 =	rddreg [dreg:$0x5];
	s26 =	sadd.s32 $0x1, s26  }
0x251: {  	p0 =	sne.s32 s26, s31  }
.Ltmp3:
0x252: {  	_ = 	snop;
	(pc) =	sbr.rel @p0 .LBB2_1-.Ltmp3, $3  }
0x253: {  	_ =	sdelay $0x1  }
0x254: {  	[sflag:s25] =	ssyncset.done $0x0  }
0x255: {  	[sflag:s25] =	ssyncadd.s32 $0xFFFFFC00  }
0x256: {  	_ =	sfence.sel $0x180000  }
0x257: {  	[bflag:$0x0] =	sbarrier.arrive $0xFFFF  }
0x258: {  	_ =	strace $0x90000047  }
0x259: {  	s0 =	stileid.u32;
	[bflag:$0x2] =	sbarrier.arrive $0xFFFF  }
0x25a: {  	p0 =	sne.s32 s0, $0x0;
	s0 =	rddreg [dreg:$0x2]  }
0x25b: {  	s0 =	sadd.s32 @!p0 $0x100000, s0  }
0x25c: {  	[sflag:s0] =	ssyncadd.tile.s32 @!p0 $0x1;
	_ =	shalt  }
.Lfunc_end2:
_tile_overlayer_lowered:
.L_overlay_start_2:
0x25d: {  	(tag) =	ssettag $0x2  }
0x25e: {  	s0 =	rddreg [dreg:$0x0];
	s2 =	stileid.u32  }
0x25f: {  	s1 =	rddreg [dreg:$0x1];
	p0 =	sne.s32 s2, $0x0  }
0x260: {  	s3 =	rddreg [dreg:$0x2];
	[bflag:$0x3] =	sbarrier.arrive $0xFFFF;
	s2 =	simm.s32 @!p0 $0x1C05  }
0x261: {  	[timem:s3], [sflag:s2] =	dma.local @!p0 [hbm:s0], s1  }
0x262: {  	s0 =	simm.s32 @!p0 $0x5  }
0x263: {  	_ =	swait.ge @!p0 [sflag:s0], s1  }
0x264: {  	s1 =	ssub.s32 @!p0 $0x0, s1;
	[sflag:s0] =	ssyncset.done @!p0 $0x0  }
0x265: {  	[sflag:s0] =	ssyncadd.s32 @!p0 s1  }
0x266: {  	[bflag:$0x3] =	sbarrier.arrive $0xFFFF  }
0x267: {  	_ =	shalt  }

</sc_bundles>
